<compile_context>
chip_gen: v7x
topology: tpu7x:2x2x1
jax: 0.10.2.dev20260603
libtpu: 0.0.44.dev20260713+nightly
codegen_flags: <defaults>
</compile_context>

<pallas_src>
import functools

import jax
import jax.numpy as jnp
from jax import lax
from jax.experimental import pallas as pl
from jax.experimental.pallas import tpu as pltpu
from jax.experimental.pallas import tpu_sc as plsc

_BLK = 1024
_NW = 32
_L = 16
_TCH = 256


def _router_body(x_ref, w1_ref, b1_ref, w2_ref, b2_ref, eye_ref, small_ref):
    x = x_ref[...]
    h = jnp.maximum(
        jnp.dot(x, w1_ref[...], preferred_element_type=jnp.float32) + b1_ref[...],
        0.0,
    )
    logits = jnp.dot(h, w2_ref[...], preferred_element_type=jnp.float32) + b2_ref[...]
    E = logits.shape[1]
    lane = lax.broadcasted_iota(jnp.int32, logits.shape, 1).astype(jnp.float32)
    m1 = jnp.max(logits, axis=1, keepdims=True)
    idx1 = jnp.min(jnp.where(logits == m1, lane, float(E)), axis=1, keepdims=True)
    rest = jnp.where(lane == idx1, -jnp.inf, logits)
    m2 = jnp.max(rest, axis=1, keepdims=True)
    idx2 = jnp.min(jnp.where(rest == m2, lane, float(E)), axis=1, keepdims=True)
    e2 = jnp.exp(m2 - m1)
    p2 = e2 / (1.0 + e2)
    p1 = 1.0 - p2
    p1h = p1.astype(jnp.bfloat16).astype(jnp.float32)
    p1l = (p1 - p1h).astype(jnp.bfloat16).astype(jnp.float32)
    p2h = p2.astype(jnp.bfloat16).astype(jnp.float32)
    p2l = (p2 - p2h).astype(jnp.bfloat16).astype(jnp.float32)
    zero = jnp.zeros_like(p1)
    small = jnp.concatenate(
        [idx1, idx2, p1h, p1l, p2h, p2l, zero, zero], axis=1
    )
    eye = eye_ref[...]
    pieces = [
        lax.dot_general(
            small[j * _TCH:(j + 1) * _TCH, :],
            eye,
            ((( 0,), (0,)), ((), ())),
            preferred_element_type=jnp.float32,
        )
        for j in range(_BLK // _TCH)
    ]
    small_ref[...] = jnp.concatenate(pieces, axis=1)


def _tc_router(x, W1, b1, W2, b2):
    B, D = x.shape
    H = W1.shape[1]
    E = W2.shape[1]
    eye = jnp.eye(_TCH, dtype=jnp.float32)
    return pl.pallas_call(
        _router_body,
        grid=(B // _BLK,),
        in_specs=[
            pl.BlockSpec((_BLK, D), lambda i: (i, 0)),
            pl.BlockSpec((D, H), lambda i: (0, 0)),
            pl.BlockSpec((1, H), lambda i: (0, 0)),
            pl.BlockSpec((H, E), lambda i: (0, 0)),
            pl.BlockSpec((1, E), lambda i: (0, 0)),
            pl.BlockSpec((_TCH, _TCH), lambda i: (0, 0)),
        ],
        out_specs=pl.BlockSpec((8, _BLK), lambda i: (0, i)),
        out_shape=jax.ShapeDtypeStruct((8, B), jnp.float32),
        compiler_params=pltpu.CompilerParams(
            dimension_semantics=("parallel",),
        ),
    )(x, W1, b1.reshape(1, H), W2, b2.reshape(1, E), eye)


def _sc_expand_body(smt_hbm, wt_hbm, idxt_hbm, sm_v, wt_v, ix_v):
    E = wt_v.shape[0]
    B = smt_hbm.shape[1]
    ch = wt_v.shape[1]
    wid = lax.axis_index("s") * 2 + lax.axis_index("c")
    base = wid * ch

    pltpu.sync_copy(smt_hbm.at[:, pl.ds(base, ch)], sm_v)

    def _group(g, _):
        o = g * _L
        i1 = sm_v[0, pl.ds(o, _L)]
        i2 = sm_v[1, pl.ds(o, _L)]
        p1 = sm_v[2, pl.ds(o, _L)] + sm_v[3, pl.ds(o, _L)]
        p2 = sm_v[4, pl.ds(o, _L)] + sm_v[5, pl.ds(o, _L)]
        zv = jnp.zeros((_L,), jnp.float32)
        for e in range(E):
            ef = float(e)
            wt_v[e, pl.ds(o, _L)] = jnp.where(
                i1 == ef, p1, jnp.where(i2 == ef, p2, zv)
            )
        ix_v[0, pl.ds(o, _L)] = i1.astype(jnp.int32)
        ix_v[1, pl.ds(o, _L)] = i2.astype(jnp.int32)
        return 0

    lax.fori_loop(0, ch // _L, _group, 0)

    pltpu.sync_copy(wt_v, wt_hbm.at[:, pl.ds(base, ch)])
    pltpu.sync_copy(ix_v, idxt_hbm.at[:, pl.ds(base, ch)])


def _sc_expand(small_t, E):
    B = small_t.shape[1]
    ch = B // _NW
    mesh = plsc.VectorSubcoreMesh(core_axis_name="c", subcore_axis_name="s")
    kern = functools.partial(
        pl.kernel,
        mesh=mesh,
        out_type=[
            jax.ShapeDtypeStruct((E, B), jnp.float32),
            jax.ShapeDtypeStruct((2, B), jnp.int32),
        ],
        scratch_types=[
            pltpu.VMEM((8, ch), jnp.float32),
            pltpu.VMEM((E, ch), jnp.float32),
            pltpu.VMEM((2, ch), jnp.int32),
        ],
    )(_sc_expand_body)
    return kern(small_t)


def kernel(x, top_k, W1, b1, W2, b2):
    del top_k
    E = W2.shape[1]
    small_t = _tc_router(x, W1, b1, W2, b2)
    wt, idxt = _sc_expand(small_t, E)
    return wt.T, idxt.T

# --- scband reference (transcript-rebuilt; emitter-appended) ---
"""Pipeline reference for scband-multi-dcpgating-network-2250562863553 (READ-ONLY COPY).

The authoritative reference and input builder live on the scoring server;
editing this copy changes nothing except your own understanding.
"""

import jax, jax.numpy as jnp
import numpy as np

INPUT_DIM = 768
NUM_EXPERTS = 64
HIDDEN_DIM = 128
N_TOKENS = 32768


def setup_inputs(seed: int = 0) -> dict:
    key = jax.random.key(seed)
    k1, k2, k3, k4, k5 = jax.random.split(key, 5)
    x = jax.random.normal(k1, (N_TOKENS, INPUT_DIM), dtype=jnp.float32)
    # Linear layer params (PyTorch nn.Linear default init: U(-1/sqrt(fan_in), 1/sqrt(fan_in)))
    b1_bound = 1.0 / np.sqrt(INPUT_DIM)
    b2_bound = 1.0 / np.sqrt(HIDDEN_DIM)
    W1 = jax.random.uniform(k2, (INPUT_DIM, HIDDEN_DIM), dtype=jnp.float32, minval=-b1_bound, maxval=b1_bound)
    b1 = jax.random.uniform(k3, (HIDDEN_DIM,), dtype=jnp.float32, minval=-b1_bound, maxval=b1_bound)
    W2 = jax.random.uniform(k4, (HIDDEN_DIM, NUM_EXPERTS), dtype=jnp.float32, minval=-b2_bound, maxval=b2_bound)
    b2 = jax.random.uniform(k5, (NUM_EXPERTS,), dtype=jnp.float32, minval=-b2_bound, maxval=b2_bound)
    return {"x": x, "top_k": 2, "W1": W1, "b1": b1, "W2": W2, "b2": b2}


def reference(x, top_k, W1, b1, W2, b2):
    # gate: Linear -> ReLU -> Dropout(eval: identity) -> Linear
    h = jnp.maximum(x @ W1 + b1, 0.0)
    logits = h @ W2 + b2  # [B, num_experts]
    K = 2  # static k; setup_inputs always passes top_k=2
    top_k_logits, top_k_indices = jax.lax.top_k(logits, K)  # [B, k]
    top_k_indices = top_k_indices + (top_k - top_k)
    top_k_weights = jax.nn.softmax(top_k_logits, axis=1)  # softmax over selected experts only
    B = logits.shape[0]
    rows = jnp.arange(B)[:, None]
    weights = jnp.zeros_like(logits).at[rows, top_k_indices].set(top_k_weights)
    return weights, top_k_indices

if __name__ == "__main__":
    import jax
    _d = setup_inputs()
    print(jax.jit(kernel)(*tuple(_d.values())))

</pallas_src>

<mosaic_0001>
#map = affine_map<(d0, d1) -> (0, 0)>
module attributes {stable_mosaic.version = 14 : i64} {
  func.func @_sc_expand_body(%arg0: i32, %arg1: i32, %arg2: memref<8x32768xf32, #tpu.memory_space<hbm>>, %arg3: memref<64x32768xf32, #tpu.memory_space<hbm>>, %arg4: memref<2x32768xi32, #tpu.memory_space<hbm>>, %arg5: memref<8x1024xf32, #tpu.memory_space<vmem>>, %arg6: memref<64x1024xf32, #tpu.memory_space<vmem>>, %arg7: memref<2x1024xi32, #tpu.memory_space<vmem>>) attributes {dimension_semantics = [#tpu.dimension_semantics<core_parallel>, #tpu.dimension_semantics<subcore_parallel>], iteration_bounds = array<i64: 2, 16>, scalar_prefetch = 0 : i64, scratch_operands = 3 : i64, tpu.core_type = #tpu.core_type<sc_vector_subcore>, window_params = [{transform_indices = #map}, {transform_indices = #map}, {transform_indices = #map}]} {
    %mul3A = arith.constant 2 : i32
    %mul3A_0 = arith.muli %arg1, %mul3A : i32
    %add3A = arith.addi %mul3A_0, %arg0 : i32
    %mul3A_1 = arith.constant 1024 : i32
    %mul3A_2 = arith.muli %add3A, %mul3A_1 : i32
    "tpu.region"() ({
      %run_scoped3A = tpu.sem_alloc : memref<!tpu.dma_semaphore, #tpu.memory_space<semaphore_mem>>
      %dma_start3A = arith.constant 0 : i32
      %dma_start3A_9 = tpu.memref_slice %arg2[%dma_start3A, %mul3A_2] : memref<8x32768xf32, #tpu.memory_space<hbm>> -> memref<8x1024xf32, #tpu.memory_space<hbm>>
      %dma_start3A_10 = arith.constant 0 : i32
      %dma_start3A_11 = tpu.memref_slice %arg2[%dma_start3A_10, %mul3A_2] : memref<8x32768xf32, #tpu.memory_space<hbm>> -> memref<8x1024xf32, #tpu.memory_space<hbm>>
      tpu.enqueue_dma source(%dma_start3A_11 : memref<8x1024xf32, #tpu.memory_space<hbm>>) target(%arg5 : memref<8x1024xf32, #tpu.memory_space<vmem>>) target_semaphore(%run_scoped3A : memref<!tpu.dma_semaphore, #tpu.memory_space<semaphore_mem>>)
      %dma_wait3A = arith.constant 0 : i32
      %dma_wait3A_12 = tpu.memref_slice %arg2[%dma_wait3A, %mul3A_2] : memref<8x32768xf32, #tpu.memory_space<hbm>> -> memref<8x1024xf32, #tpu.memory_space<hbm>>
      %dma_wait3A_13 = arith.constant 0 : i32
      %dma_wait3A_14 = tpu.memref_slice %arg2[%dma_wait3A_13, %mul3A_2] : memref<8x32768xf32, #tpu.memory_space<hbm>> -> memref<8x1024xf32, #tpu.memory_space<hbm>>
      tpu.wait_dma2 semaphore(%run_scoped3A : memref<!tpu.dma_semaphore, #tpu.memory_space<semaphore_mem>>) src(%dma_wait3A_14 : memref<8x1024xf32, #tpu.memory_space<hbm>>) dst(%arg5 : memref<8x1024xf32, #tpu.memory_space<vmem>>)
      tpu.yield
    }) : () -> ()
    %scan3A = arith.constant 0 : i32
    %scan3A_3 = arith.constant 0 : i32
    %scan3A_4 = arith.constant 64 : i32
    %scan3A_5 = arith.addi %scan3A_3, %scan3A_4 : i32
    %scan3A_6 = arith.constant 1 : i32
    %scan3A_7 = scf.for %scan3A_9 = %scan3A_3 to %scan3A_5 step %scan3A_6 iter_args(%scan3A_10 = %scan3A) -> (i32)  : i32 {
      %mul3A_11 = arith.constant 16 : i32
      %mul3A_12 = arith.muli %scan3A_9, %mul3A_11 : i32
      %get3A = arith.constant 0 : i32
      %get3A_13 = arith.index_cast %get3A : i32 to index
      %get3A_14 = arith.index_cast %mul3A_12 : i32 to index
      %get3A_15 = tpu.vector_load %arg5[%get3A_13, %get3A_14] {strides = array<i32>} : memref<8x1024xf32, #tpu.memory_space<vmem>>, vector<1x16xf32>,
      %get3A_16 = vector.shape_cast %get3A_15 : vector<1x16xf32> to vector<16xf32>
      %get3A_17 = arith.constant 1 : i32
      %get3A_18 = arith.index_cast %get3A_17 : i32 to index
      %get3A_19 = arith.index_cast %mul3A_12 : i32 to index
      %get3A_20 = tpu.vector_load %arg5[%get3A_18, %get3A_19] {strides = array<i32>} : memref<8x1024xf32, #tpu.memory_space<vmem>>, vector<1x16xf32>,
      %get3A_21 = vector.shape_cast %get3A_20 : vector<1x16xf32> to vector<16xf32>
      %get3A_22 = arith.constant 2 : i32
      %get3A_23 = arith.index_cast %get3A_22 : i32 to index
      %get3A_24 = arith.index_cast %mul3A_12 : i32 to index
      %get3A_25 = tpu.vector_load %arg5[%get3A_23, %get3A_24] {strides = array<i32>} : memref<8x1024xf32, #tpu.memory_space<vmem>>, vector<1x16xf32>,
      %get3A_26 = vector.shape_cast %get3A_25 : vector<1x16xf32> to vector<16xf32>
      %get3A_27 = arith.constant 3 : i32
      %get3A_28 = arith.index_cast %get3A_27 : i32 to index
      %get3A_29 = arith.index_cast %mul3A_12 : i32 to index
      %get3A_30 = tpu.vector_load %arg5[%get3A_28, %get3A_29] {strides = array<i32>} : memref<8x1024xf32, #tpu.memory_space<vmem>>, vector<1x16xf32>,
      %get3A_31 = vector.shape_cast %get3A_30 : vector<1x16xf32> to vector<16xf32>
      %add3A_32 = arith.addf %get3A_26, %get3A_31 : vector<16xf32>
      %get3A_33 = arith.constant 4 : i32
      %get3A_34 = arith.index_cast %get3A_33 : i32 to index
      %get3A_35 = arith.index_cast %mul3A_12 : i32 to index
      %get3A_36 = tpu.vector_load %arg5[%get3A_34, %get3A_35] {strides = array<i32>} : memref<8x1024xf32, #tpu.memory_space<vmem>>, vector<1x16xf32>,
      %get3A_37 = vector.shape_cast %get3A_36 : vector<1x16xf32> to vector<16xf32>
      %get3A_38 = arith.constant 5 : i32
      %get3A_39 = arith.index_cast %get3A_38 : i32 to index
      %get3A_40 = arith.index_cast %mul3A_12 : i32 to index
      %get3A_41 = tpu.vector_load %arg5[%get3A_39, %get3A_40] {strides = array<i32>} : memref<8x1024xf32, #tpu.memory_space<vmem>>, vector<1x16xf32>,
      %get3A_42 = vector.shape_cast %get3A_41 : vector<1x16xf32> to vector<16xf32>
      %add3A_43 = arith.addf %get3A_37, %get3A_42 : vector<16xf32>
      %broadcast_in_dim3A = arith.constant 0.000000e+00 : f32
      %broadcast_in_dim3A_44 = vector.broadcast %broadcast_in_dim3A : f32 to vector<16xf32>
      %eq3A = arith.constant 0.000000e+00 : f32
      %eq3A_45 = vector.broadcast %eq3A : f32 to vector<16xf32>
      %eq3A_46 = arith.cmpf oeq, %get3A_16, %eq3A_45 : vector<16xf32>
      %eq3A_47 = arith.constant 0.000000e+00 : f32
      %eq3A_48 = vector.broadcast %eq3A_47 : f32 to vector<16xf32>
      %eq3A_49 = arith.cmpf oeq, %get3A_21, %eq3A_48 : vector<16xf32>
      %select_n3A = arith.select %eq3A_49, %add3A_43, %broadcast_in_dim3A_44 : vector<16xi1>, vector<16xf32>
      %select_n3A_50 = arith.select %eq3A_46, %add3A_32, %select_n3A : vector<16xi1>, vector<16xf32>
      %swap3A = arith.constant 0 : i32
      %swap3A_51 = arith.index_cast %swap3A : i32 to index
      %swap3A_52 = arith.index_cast %mul3A_12 : i32 to index
      %swap3A_53 = tpu.vector_load %arg6[%swap3A_51, %swap3A_52] {strides = array<i32>} : memref<64x1024xf32, #tpu.memory_space<vmem>>, vector<1x16xf32>,
      %swap3A_54 = vector.shape_cast %swap3A_53 : vector<1x16xf32> to vector<16xf32>
      %swap3A_55 = vector.shape_cast %select_n3A_50 : vector<16xf32> to vector<1x16xf32>
      tpu.vector_store %arg6[%swap3A_51, %swap3A_52], %swap3A_55 {strides = array<i32>} : memref<64x1024xf32, #tpu.memory_space<vmem>>, vector<1x16xf32>,
      %eq3A_56 = arith.constant 1.000000e+00 : f32
      %eq3A_57 = vector.broadcast %eq3A_56 : f32 to vector<16xf32>
      %eq3A_58 = arith.cmpf oeq, %get3A_16, %eq3A_57 : vector<16xf32>
      %eq3A_59 = arith.constant 1.000000e+00 : f32
      %eq3A_60 = vector.broadcast %eq3A_59 : f32 to vector<16xf32>
      %eq3A_61 = arith.cmpf oeq, %get3A_21, %eq3A_60 : vector<16xf32>
      %select_n3A_62 = arith.select %eq3A_61, %add3A_43, %broadcast_in_dim3A_44 : vector<16xi1>, vector<16xf32>
      %select_n3A_63 = arith.select %eq3A_58, %add3A_32, %select_n3A_62 : vector<16xi1>, vector<16xf32>
      %swap3A_64 = arith.constant 1 : i32
      %swap3A_65 = arith.index_cast %swap3A_64 : i32 to index
      %swap3A_66 = arith.index_cast %mul3A_12 : i32 to index
      %swap3A_67 = tpu.vector_load %arg6[%swap3A_65, %swap3A_66] {strides = array<i32>} : memref<64x1024xf32, #tpu.memory_space<vmem>>, vector<1x16xf32>,
      %swap3A_68 = vector.shape_cast %swap3A_67 : vector<1x16xf32> to vector<16xf32>
      %swap3A_69 = vector.shape_cast %select_n3A_63 : vector<16xf32> to vector<1x16xf32>
      tpu.vector_store %arg6[%swap3A_65, %swap3A_66], %swap3A_69 {strides = array<i32>} : memref<64x1024xf32, #tpu.memory_space<vmem>>, vector<1x16xf32>,
      %eq3A_70 = arith.constant 2.000000e+00 : f32
      %eq3A_71 = vector.broadcast %eq3A_70 : f32 to vector<16xf32>
      %eq3A_72 = arith.cmpf oeq, %get3A_16, %eq3A_71 : vector<16xf32>
      %eq3A_73 = arith.constant 2.000000e+00 : f32
      %eq3A_74 = vector.broadcast %eq3A_73 : f32 to vector<16xf32>
      %eq3A_75 = arith.cmpf oeq, %get3A_21, %eq3A_74 : vector<16xf32>
      %select_n3A_76 = arith.select %eq3A_75, %add3A_43, %broadcast_in_dim3A_44 : vector<16xi1>, vector<16xf32>
      %select_n3A_77 = arith.select %eq3A_72, %add3A_32, %select_n3A_76 : vector<16xi1>, vector<16xf32>
      %swap3A_78 = arith.constant 2 : i32
      %swap3A_79 = arith.index_cast %swap3A_78 : i32 to index
      %swap3A_80 = arith.index_cast %mul3A_12 : i32 to index
      %swap3A_81 = tpu.vector_load %arg6[%swap3A_79, %swap3A_80] {strides = array<i32>} : memref<64x1024xf32, #tpu.memory_space<vmem>>, vector<1x16xf32>,
      %swap3A_82 = vector.shape_cast %swap3A_81 : vector<1x16xf32> to vector<16xf32>
      %swap3A_83 = vector.shape_cast %select_n3A_77 : vector<16xf32> to vector<1x16xf32>
      tpu.vector_store %arg6[%swap3A_79, %swap3A_80], %swap3A_83 {strides = array<i32>} : memref<64x1024xf32, #tpu.memory_space<vmem>>, vector<1x16xf32>,
      %eq3A_84 = arith.constant 3.000000e+00 : f32
      %eq3A_85 = vector.broadcast %eq3A_84 : f32 to vector<16xf32>
      %eq3A_86 = arith.cmpf oeq, %get3A_16, %eq3A_85 : vector<16xf32>
      %eq3A_87 = arith.constant 3.000000e+00 : f32
      %eq3A_88 = vector.broadcast %eq3A_87 : f32 to vector<16xf32>
      %eq3A_89 = arith.cmpf oeq, %get3A_21, %eq3A_88 : vector<16xf32>
      %select_n3A_90 = arith.select %eq3A_89, %add3A_43, %broadcast_in_dim3A_44 : vector<16xi1>, vector<16xf32>
      %select_n3A_91 = arith.select %eq3A_86, %add3A_32, %select_n3A_90 : vector<16xi1>, vector<16xf32>
      %swap3A_92 = arith.constant 3 : i32
      %swap3A_93 = arith.index_cast %swap3A_92 : i32 to index
      %swap3A_94 = arith.index_cast %mul3A_12 : i32 to index
      %swap3A_95 = tpu.vector_load %arg6[%swap3A_93, %swap3A_94] {strides = array<i32>} : memref<64x1024xf32, #tpu.memory_space<vmem>>, vector<1x16xf32>,
      %swap3A_96 = vector.shape_cast %swap3A_95 : vector<1x16xf32> to vector<16xf32>
      %swap3A_97 = vector.shape_cast %select_n3A_91 : vector<16xf32> to vector<1x16xf32>
      tpu.vector_store %arg6[%swap3A_93, %swap3A_94], %swap3A_97 {strides = array<i32>} : memref<64x1024xf32, #tpu.memory_space<vmem>>, vector<1x16xf32>,
      %eq3A_98 = arith.constant 4.000000e+00 : f32
      %eq3A_99 = vector.broadcast %eq3A_98 : f32 to vector<16xf32>
      %eq3A_100 = arith.cmpf oeq, %get3A_16, %eq3A_99 : vector<16xf32>
      %eq3A_101 = arith.constant 4.000000e+00 : f32
      %eq3A_102 = vector.broadcast %eq3A_101 : f32 to vector<16xf32>
      %eq3A_103 = arith.cmpf oeq, %get3A_21, %eq3A_102 : vector<16xf32>
      %select_n3A_104 = arith.select %eq3A_103, %add3A_43, %broadcast_in_dim3A_44 : vector<16xi1>, vector<16xf32>
      %select_n3A_105 = arith.select %eq3A_100, %add3A_32, %select_n3A_104 : vector<16xi1>, vector<16xf32>
      %swap3A_106 = arith.constant 4 : i32
      %swap3A_107 = arith.index_cast %swap3A_106 : i32 to index
      %swap3A_108 = arith.index_cast %mul3A_12 : i32 to index
      %swap3A_109 = tpu.vector_load %arg6[%swap3A_107, %swap3A_108] {strides = array<i32>} : memref<64x1024xf32, #tpu.memory_space<vmem>>, vector<1x16xf32>,
      %swap3A_110 = vector.shape_cast %swap3A_109 : vector<1x16xf32> to vector<16xf32>
      %swap3A_111 = vector.shape_cast %select_n3A_105 : vector<16xf32> to vector<1x16xf32>
      tpu.vector_store %arg6[%swap3A_107, %swap3A_108], %swap3A_111 {strides = array<i32>} : memref<64x1024xf32, #tpu.memory_space<vmem>>, vector<1x16xf32>,
      %eq3A_112 = arith.constant 5.000000e+00 : f32
      %eq3A_113 = vector.broadcast %eq3A_112 : f32 to vector<16xf32>
      %eq3A_114 = arith.cmpf oeq, %get3A_16, %eq3A_113 : vector<16xf32>
      %eq3A_115 = arith.constant 5.000000e+00 : f32
      %eq3A_116 = vector.broadcast %eq3A_115 : f32 to vector<16xf32>
      %eq3A_117 = arith.cmpf oeq, %get3A_21, %eq3A_116 : vector<16xf32>
      %select_n3A_118 = arith.select %eq3A_117, %add3A_43, %broadcast_in_dim3A_44 : vector<16xi1>, vector<16xf32>
      %select_n3A_119 = arith.select %eq3A_114, %add3A_32, %select_n3A_118 : vector<16xi1>, vector<16xf32>
      %swap3A_120 = arith.constant 5 : i32
      %swap3A_121 = arith.index_cast %swap3A_120 : i32 to index
      %swap3A_122 = arith.index_cast %mul3A_12 : i32 to index
      %swap3A_123 = tpu.vector_load %arg6[%swap3A_121, %swap3A_122] {strides = array<i32>} : memref<64x1024xf32, #tpu.memory_space<vmem>>, vector<1x16xf32>,
      %swap3A_124 = vector.shape_cast %swap3A_123 : vector<1x16xf32> to vector<16xf32>
      %swap3A_125 = vector.shape_cast %select_n3A_119 : vector<16xf32> to vector<1x16xf32>
      tpu.vector_store %arg6[%swap3A_121, %swap3A_122], %swap3A_125 {strides = array<i32>} : memref<64x1024xf32, #tpu.memory_space<vmem>>, vector<1x16xf32>,
      %eq3A_126 = arith.constant 6.000000e+00 : f32
      %eq3A_127 = vector.broadcast %eq3A_126 : f32 to vector<16xf32>
      %eq3A_128 = arith.cmpf oeq, %get3A_16, %eq3A_127 : vector<16xf32>
      %eq3A_129 = arith.constant 6.000000e+00 : f32
      %eq3A_130 = vector.broadcast %eq3A_129 : f32 to vector<16xf32>
      %eq3A_131 = arith.cmpf oeq, %get3A_21, %eq3A_130 : vector<16xf32>
      %select_n3A_132 = arith.select %eq3A_131, %add3A_43, %broadcast_in_dim3A_44 : vector<16xi1>, vector<16xf32>
      %select_n3A_133 = arith.select %eq3A_128, %add3A_32, %select_n3A_132 : vector<16xi1>, vector<16xf32>
      %swap3A_134 = arith.constant 6 : i32
      %swap3A_135 = arith.index_cast %swap3A_134 : i32 to index
      %swap3A_136 = arith.index_cast %mul3A_12 : i32 to index
      %swap3A_137 = tpu.vector_load %arg6[%swap3A_135, %swap3A_136] {strides = array<i32>} : memref<64x1024xf32, #tpu.memory_space<vmem>>, vector<1x16xf32>,
      %swap3A_138 = vector.shape_cast %swap3A_137 : vector<1x16xf32> to vector<16xf32>
      %swap3A_139 = vector.shape_cast %select_n3A_133 : vector<16xf32> to vector<1x16xf32>
      tpu.vector_store %arg6[%swap3A_135, %swap3A_136], %swap3A_139 {strides = array<i32>} : memref<64x1024xf32, #tpu.memory_space<vmem>>, vector<1x16xf32>,
      %eq3A_140 = arith.constant 7.000000e+00 : f32
      %eq3A_141 = vector.broadcast %eq3A_140 : f32 to vector<16xf32>
      %eq3A_142 = arith.cmpf oeq, %get3A_16, %eq3A_141 : vector<16xf32>
      %eq3A_143 = arith.constant 7.000000e+00 : f32
      %eq3A_144 = vector.broadcast %eq3A_143 : f32 to vector<16xf32>
      %eq3A_145 = arith.cmpf oeq, %get3A_21, %eq3A_144 : vector<16xf32>
      %select_n3A_146 = arith.select %eq3A_145, %add3A_43, %broadcast_in_dim3A_44 : vector<16xi1>, vector<16xf32>
      %select_n3A_147 = arith.select %eq3A_142, %add3A_32, %select_n3A_146 : vector<16xi1>, vector<16xf32>
      %swap3A_148 = arith.constant 7 : i32
      %swap3A_149 = arith.index_cast %swap3A_148 : i32 to index
      %swap3A_150 = arith.index_cast %mul3A_12 : i32 to index
      %swap3A_151 = tpu.vector_load %arg6[%swap3A_149, %swap3A_150] {strides = array<i32>} : memref<64x1024xf32, #tpu.memory_space<vmem>>, vector<1x16xf32>,
      %swap3A_152 = vector.shape_cast %swap3A_151 : vector<1x16xf32> to vector<16xf32>
      %swap3A_153 = vector.shape_cast %select_n3A_147 : vector<16xf32> to vector<1x16xf32>
      tpu.vector_store %arg6[%swap3A_149, %swap3A_150], %swap3A_153 {strides = array<i32>} : memref<64x1024xf32, #tpu.memory_space<vmem>>, vector<1x16xf32>,
      %eq3A_154 = arith.constant 8.000000e+00 : f32
      %eq3A_155 = vector.broadcast %eq3A_154 : f32 to vector<16xf32>
      %eq3A_156 = arith.cmpf oeq, %get3A_16, %eq3A_155 : vector<16xf32>
      %eq3A_157 = arith.constant 8.000000e+00 : f32
      %eq3A_158 = vector.broadcast %eq3A_157 : f32 to vector<16xf32>
      %eq3A_159 = arith.cmpf oeq, %get3A_21, %eq3A_158 : vector<16xf32>
      %select_n3A_160 = arith.select %eq3A_159, %add3A_43, %broadcast_in_dim3A_44 : vector<16xi1>, vector<16xf32>
      %select_n3A_161 = arith.select %eq3A_156, %add3A_32, %select_n3A_160 : vector<16xi1>, vector<16xf32>
      %swap3A_162 = arith.constant 8 : i32
      %swap3A_163 = arith.index_cast %swap3A_162 : i32 to index
      %swap3A_164 = arith.index_cast %mul3A_12 : i32 to index
      %swap3A_165 = tpu.vector_load %arg6[%swap3A_163, %swap3A_164] {strides = array<i32>} : memref<64x1024xf32, #tpu.memory_space<vmem>>, vector<1x16xf32>,
      %swap3A_166 = vector.shape_cast %swap3A_165 : vector<1x16xf32> to vector<16xf32>
      %swap3A_167 = vector.shape_cast %select_n3A_161 : vector<16xf32> to vector<1x16xf32>
      tpu.vector_store %arg6[%swap3A_163, %swap3A_164], %swap3A_167 {strides = array<i32>} : memref<64x1024xf32, #tpu.memory_space<vmem>>, vector<1x16xf32>,
      %eq3A_168 = arith.constant 9.000000e+00 : f32
      %eq3A_169 = vector.broadcast %eq3A_168 : f32 to vector<16xf32>
      %eq3A_170 = arith.cmpf oeq, %get3A_16, %eq3A_169 : vector<16xf32>
      %eq3A_171 = arith.constant 9.000000e+00 : f32
      %eq3A_172 = vector.broadcast %eq3A_171 : f32 to vector<16xf32>
      %eq3A_173 = arith.cmpf oeq, %get3A_21, %eq3A_172 : vector<16xf32>
      %select_n3A_174 = arith.select %eq3A_173, %add3A_43, %broadcast_in_dim3A_44 : vector<16xi1>, vector<16xf32>
      %select_n3A_175 = arith.select %eq3A_170, %add3A_32, %select_n3A_174 : vector<16xi1>, vector<16xf32>
      %swap3A_176 = arith.constant 9 : i32
      %swap3A_177 = arith.index_cast %swap3A_176 : i32 to index
      %swap3A_178 = arith.index_cast %mul3A_12 : i32 to index
      %swap3A_179 = tpu.vector_load %arg6[%swap3A_177, %swap3A_178] {strides = array<i32>} : memref<64x1024xf32, #tpu.memory_space<vmem>>, vector<1x16xf32>,
      %swap3A_180 = vector.shape_cast %swap3A_179 : vector<1x16xf32> to vector<16xf32>
      %swap3A_181 = vector.shape_cast %select_n3A_175 : vector<16xf32> to vector<1x16xf32>
      tpu.vector_store %arg6[%swap3A_177, %swap3A_178], %swap3A_181 {strides = array<i32>} : memref<64x1024xf32, #tpu.memory_space<vmem>>, vector<1x16xf32>,
      %eq3A_182 = arith.constant 1.000000e+01 : f32
      %eq3A_183 = vector.broadcast %eq3A_182 : f32 to vector<16xf32>
      %eq3A_184 = arith.cmpf oeq, %get3A_16, %eq3A_183 : vector<16xf32>
      %eq3A_185 = arith.constant 1.000000e+01 : f32
      %eq3A_186 = vector.broadcast %eq3A_185 : f32 to vector<16xf32>
      %eq3A_187 = arith.cmpf oeq, %get3A_21, %eq3A_186 : vector<16xf32>
      %select_n3A_188 = arith.select %eq3A_187, %add3A_43, %broadcast_in_dim3A_44 : vector<16xi1>, vector<16xf32>
      %select_n3A_189 = arith.select %eq3A_184, %add3A_32, %select_n3A_188 : vector<16xi1>, vector<16xf32>
      %swap3A_190 = arith.constant 10 : i32
      %swap3A_191 = arith.index_cast %swap3A_190 : i32 to index
      %swap3A_192 = arith.index_cast %mul3A_12 : i32 to index
      %swap3A_193 = tpu.vector_load %arg6[%swap3A_191, %swap3A_192] {strides = array<i32>} : memref<64x1024xf32, #tpu.memory_space<vmem>>, vector<1x16xf32>,
      %swap3A_194 = vector.shape_cast %swap3A_193 : vector<1x16xf32> to vector<16xf32>
      %swap3A_195 = vector.shape_cast %select_n3A_189 : vector<16xf32> to vector<1x16xf32>
      tpu.vector_store %arg6[%swap3A_191, %swap3A_192], %swap3A_195 {strides = array<i32>} : memref<64x1024xf32, #tpu.memory_space<vmem>>, vector<1x16xf32>,
      %eq3A_196 = arith.constant 1.100000e+01 : f32
      %eq3A_197 = vector.broadcast %eq3A_196 : f32 to vector<16xf32>
      %eq3A_198 = arith.cmpf oeq, %get3A_16, %eq3A_197 : vector<16xf32>
      %eq3A_199 = arith.constant 1.100000e+01 : f32
      %eq3A_200 = vector.broadcast %eq3A_199 : f32 to vector<16xf32>
      %eq3A_201 = arith.cmpf oeq, %get3A_21, %eq3A_200 : vector<16xf32>
      %select_n3A_202 = arith.select %eq3A_201, %add3A_43, %broadcast_in_dim3A_44 : vector<16xi1>, vector<16xf32>
      %select_n3A_203 = arith.select %eq3A_198, %add3A_32, %select_n3A_202 : vector<16xi1>, vector<16xf32>
      %swap3A_204 = arith.constant 11 : i32
      %swap3A_205 = arith.index_cast %swap3A_204 : i32 to index
      %swap3A_206 = arith.index_cast %mul3A_12 : i32 to index
      %swap3A_207 = tpu.vector_load %arg6[%swap3A_205, %swap3A_206] {strides = array<i32>} : memref<64x1024xf32, #tpu.memory_space<vmem>>, vector<1x16xf32>,
      %swap3A_208 = vector.shape_cast %swap3A_207 : vector<1x16xf32> to vector<16xf32>
      %swap3A_209 = vector.shape_cast %select_n3A_203 : vector<16xf32> to vector<1x16xf32>
      tpu.vector_store %arg6[%swap3A_205, %swap3A_206], %swap3A_209 {strides = array<i32>} : memref<64x1024xf32, #tpu.memory_space<vmem>>, vector<1x16xf32>,
      %eq3A_210 = arith.constant 1.200000e+01 : f32
      %eq3A_211 = vector.broadcast %eq3A_210 : f32 to vector<16xf32>
      %eq3A_212 = arith.cmpf oeq, %get3A_16, %eq3A_211 : vector<16xf32>
      %eq3A_213 = arith.constant 1.200000e+01 : f32
      %eq3A_214 = vector.broadcast %eq3A_213 : f32 to vector<16xf32>
      %eq3A_215 = arith.cmpf oeq, %get3A_21, %eq3A_214 : vector<16xf32>
      %select_n3A_216 = arith.select %eq3A_215, %add3A_43, %broadcast_in_dim3A_44 : vector<16xi1>, vector<16xf32>
      %select_n3A_217 = arith.select %eq3A_212, %add3A_32, %select_n3A_216 : vector<16xi1>, vector<16xf32>
      %swap3A_218 = arith.constant 12 : i32
      %swap3A_219 = arith.index_cast %swap3A_218 : i32 to index
      %swap3A_220 = arith.index_cast %mul3A_12 : i32 to index
      %swap3A_221 = tpu.vector_load %arg6[%swap3A_219, %swap3A_220] {strides = array<i32>} : memref<64x1024xf32, #tpu.memory_space<vmem>>, vector<1x16xf32>,
      %swap3A_222 = vector.shape_cast %swap3A_221 : vector<1x16xf32> to vector<16xf32>
      %swap3A_223 = vector.shape_cast %select_n3A_217 : vector<16xf32> to vector<1x16xf32>
      tpu.vector_store %arg6[%swap3A_219, %swap3A_220], %swap3A_223 {strides = array<i32>} : memref<64x1024xf32, #tpu.memory_space<vmem>>, vector<1x16xf32>,
      %eq3A_224 = arith.constant 1.300000e+01 : f32
      %eq3A_225 = vector.broadcast %eq3A_224 : f32 to vector<16xf32>
      %eq3A_226 = arith.cmpf oeq, %get3A_16, %eq3A_225 : vector<16xf32>
      %eq3A_227 = arith.constant 1.300000e+01 : f32
      %eq3A_228 = vector.broadcast %eq3A_227 : f32 to vector<16xf32>
      %eq3A_229 = arith.cmpf oeq, %get3A_21, %eq3A_228 : vector<16xf32>
      %select_n3A_230 = arith.select %eq3A_229, %add3A_43, %broadcast_in_dim3A_44 : vector<16xi1>, vector<16xf32>
      %select_n3A_231 = arith.select %eq3A_226, %add3A_32, %select_n3A_230 : vector<16xi1>, vector<16xf32>
      %swap3A_232 = arith.constant 13 : i32
      %swap3A_233 = arith.index_cast %swap3A_232 : i32 to index
      %swap3A_234 = arith.index_cast %mul3A_12 : i32 to index
      %swap3A_235 = tpu.vector_load %arg6[%swap3A_233, %swap3A_234] {strides = array<i32>} : memref<64x1024xf32, #tpu.memory_space<vmem>>, vector<1x16xf32>,
      %swap3A_236 = vector.shape_cast %swap3A_235 : vector<1x16xf32> to vector<16xf32>
      %swap3A_237 = vector.shape_cast %select_n3A_231 : vector<16xf32> to vector<1x16xf32>
      tpu.vector_store %arg6[%swap3A_233, %swap3A_234], %swap3A_237 {strides = array<i32>} : memref<64x1024xf32, #tpu.memory_space<vmem>>, vector<1x16xf32>,
      %eq3A_238 = arith.constant 1.400000e+01 : f32
      %eq3A_239 = vector.broadcast %eq3A_238 : f32 to vector<16xf32>
      %eq3A_240 = arith.cmpf oeq, %get3A_16, %eq3A_239 : vector<16xf32>
      %eq3A_241 = arith.constant 1.400000e+01 : f32
      %eq3A_242 = vector.broadcast %eq3A_241 : f32 to vector<16xf32>
      %eq3A_243 = arith.cmpf oeq, %get3A_21, %eq3A_242 : vector<16xf32>
      %select_n3A_244 = arith.select %eq3A_243, %add3A_43, %broadcast_in_dim3A_44 : vector<16xi1>, vector<16xf32>
      %select_n3A_245 = arith.select %eq3A_240, %add3A_32, %select_n3A_244 : vector<16xi1>, vector<16xf32>
      %swap3A_246 = arith.constant 14 : i32
      %swap3A_247 = arith.index_cast %swap3A_246 : i32 to index
      %swap3A_248 = arith.index_cast %mul3A_12 : i32 to index
      %swap3A_249 = tpu.vector_load %arg6[%swap3A_247, %swap3A_248] {strides = array<i32>} : memref<64x1024xf32, #tpu.memory_space<vmem>>, vector<1x16xf32>,
      %swap3A_250 = vector.shape_cast %swap3A_249 : vector<1x16xf32> to vector<16xf32>
      %swap3A_251 = vector.shape_cast %select_n3A_245 : vector<16xf32> to vector<1x16xf32>
      tpu.vector_store %arg6[%swap3A_247, %swap3A_248], %swap3A_251 {strides = array<i32>} : memref<64x1024xf32, #tpu.memory_space<vmem>>, vector<1x16xf32>,
      %eq3A_252 = arith.constant 1.500000e+01 : f32
      %eq3A_253 = vector.broadcast %eq3A_252 : f32 to vector<16xf32>
      %eq3A_254 = arith.cmpf oeq, %get3A_16, %eq3A_253 : vector<16xf32>
      %eq3A_255 = arith.constant 1.500000e+01 : f32
      %eq3A_256 = vector.broadcast %eq3A_255 : f32 to vector<16xf32>
      %eq3A_257 = arith.cmpf oeq, %get3A_21, %eq3A_256 : vector<16xf32>
      %select_n3A_258 = arith.select %eq3A_257, %add3A_43, %broadcast_in_dim3A_44 : vector<16xi1>, vector<16xf32>
      %select_n3A_259 = arith.select %eq3A_254, %add3A_32, %select_n3A_258 : vector<16xi1>, vector<16xf32>
      %swap3A_260 = arith.constant 15 : i32
      %swap3A_261 = arith.index_cast %swap3A_260 : i32 to index
      %swap3A_262 = arith.index_cast %mul3A_12 : i32 to index
      %swap3A_263 = tpu.vector_load %arg6[%swap3A_261, %swap3A_262] {strides = array<i32>} : memref<64x1024xf32, #tpu.memory_space<vmem>>, vector<1x16xf32>,
      %swap3A_264 = vector.shape_cast %swap3A_263 : vector<1x16xf32> to vector<16xf32>
      %swap3A_265 = vector.shape_cast %select_n3A_259 : vector<16xf32> to vector<1x16xf32>
      tpu.vector_store %arg6[%swap3A_261, %swap3A_262], %swap3A_265 {strides = array<i32>} : memref<64x1024xf32, #tpu.memory_space<vmem>>, vector<1x16xf32>,
      %eq3A_266 = arith.constant 1.600000e+01 : f32
      %eq3A_267 = vector.broadcast %eq3A_266 : f32 to vector<16xf32>
      %eq3A_268 = arith.cmpf oeq, %get3A_16, %eq3A_267 : vector<16xf32>
      %eq3A_269 = arith.constant 1.600000e+01 : f32
      %eq3A_270 = vector.broadcast %eq3A_269 : f32 to vector<16xf32>
      %eq3A_271 = arith.cmpf oeq, %get3A_21, %eq3A_270 : vector<16xf32>
      %select_n3A_272 = arith.select %eq3A_271, %add3A_43, %broadcast_in_dim3A_44 : vector<16xi1>, vector<16xf32>
      %select_n3A_273 = arith.select %eq3A_268, %add3A_32, %select_n3A_272 : vector<16xi1>, vector<16xf32>
      %swap3A_274 = arith.constant 16 : i32
      %swap3A_275 = arith.index_cast %swap3A_274 : i32 to index
      %swap3A_276 = arith.index_cast %mul3A_12 : i32 to index
      %swap3A_277 = tpu.vector_load %arg6[%swap3A_275, %swap3A_276] {strides = array<i32>} : memref<64x1024xf32, #tpu.memory_space<vmem>>, vector<1x16xf32>,
      %swap3A_278 = vector.shape_cast %swap3A_277 : vector<1x16xf32> to vector<16xf32>
      %swap3A_279 = vector.shape_cast %select_n3A_273 : vector<16xf32> to vector<1x16xf32>
      tpu.vector_store %arg6[%swap3A_275, %swap3A_276], %swap3A_279 {strides = array<i32>} : memref<64x1024xf32, #tpu.memory_space<vmem>>, vector<1x16xf32>,
      %eq3A_280 = arith.constant 1.700000e+01 : f32
      %eq3A_281 = vector.broadcast %eq3A_280 : f32 to vector<16xf32>
      %eq3A_282 = arith.cmpf oeq, %get3A_16, %eq3A_281 : vector<16xf32>
      %eq3A_283 = arith.constant 1.700000e+01 : f32
      %eq3A_284 = vector.broadcast %eq3A_283 : f32 to vector<16xf32>
      %eq3A_285 = arith.cmpf oeq, %get3A_21, %eq3A_284 : vector<16xf32>
      %select_n3A_286 = arith.select %eq3A_285, %add3A_43, %broadcast_in_dim3A_44 : vector<16xi1>, vector<16xf32>
      %select_n3A_287 = arith.select %eq3A_282, %add3A_32, %select_n3A_286 : vector<16xi1>, vector<16xf32>
      %swap3A_288 = arith.constant 17 : i32
      %swap3A_289 = arith.index_cast %swap3A_288 : i32 to index
      %swap3A_290 = arith.index_cast %mul3A_12 : i32 to index
      %swap3A_291 = tpu.vector_load %arg6[%swap3A_289, %swap3A_290] {strides = array<i32>} : memref<64x1024xf32, #tpu.memory_space<vmem>>, vector<1x16xf32>,
      %swap3A_292 = vector.shape_cast %swap3A_291 : vector<1x16xf32> to vector<16xf32>
      %swap3A_293 = vector.shape_cast %select_n3A_287 : vector<16xf32> to vector<1x16xf32>
      tpu.vector_store %arg6[%swap3A_289, %swap3A_290], %swap3A_293 {strides = array<i32>} : memref<64x1024xf32, #tpu.memory_space<vmem>>, vector<1x16xf32>,
      %eq3A_294 = arith.constant 1.800000e+01 : f32
      %eq3A_295 = vector.broadcast %eq3A_294 : f32 to vector<16xf32>
      %eq3A_296 = arith.cmpf oeq, %get3A_16, %eq3A_295 : vector<16xf32>
      %eq3A_297 = arith.constant 1.800000e+01 : f32
      %eq3A_298 = vector.broadcast %eq3A_297 : f32 to vector<16xf32>
      %eq3A_299 = arith.cmpf oeq, %get3A_21, %eq3A_298 : vector<16xf32>
      %select_n3A_300 = arith.select %eq3A_299, %add3A_43, %broadcast_in_dim3A_44 : vector<16xi1>, vector<16xf32>
      %select_n3A_301 = arith.select %eq3A_296, %add3A_32, %select_n3A_300 : vector<16xi1>, vector<16xf32>
      %swap3A_302 = arith.constant 18 : i32
      %swap3A_303 = arith.index_cast %swap3A_302 : i32 to index
      %swap3A_304 = arith.index_cast %mul3A_12 : i32 to index
      %swap3A_305 = tpu.vector_load %arg6[%swap3A_303, %swap3A_304] {strides = array<i32>} : memref<64x1024xf32, #tpu.memory_space<vmem>>, vector<1x16xf32>,
      %swap3A_306 = vector.shape_cast %swap3A_305 : vector<1x16xf32> to vector<16xf32>
      %swap3A_307 = vector.shape_cast %select_n3A_301 : vector<16xf32> to vector<1x16xf32>
      tpu.vector_store %arg6[%swap3A_303, %swap3A_304], %swap3A_307 {strides = array<i32>} : memref<64x1024xf32, #tpu.memory_space<vmem>>, vector<1x16xf32>,
      %eq3A_308 = arith.constant 1.900000e+01 : f32
      %eq3A_309 = vector.broadcast %eq3A_308 : f32 to vector<16xf32>
      %eq3A_310 = arith.cmpf oeq, %get3A_16, %eq3A_309 : vector<16xf32>
      %eq3A_311 = arith.constant 1.900000e+01 : f32
      %eq3A_312 = vector.broadcast %eq3A_311 : f32 to vector<16xf32>
      %eq3A_313 = arith.cmpf oeq, %get3A_21, %eq3A_312 : vector<16xf32>
      %select_n3A_314 = arith.select %eq3A_313, %add3A_43, %broadcast_in_dim3A_44 : vector<16xi1>, vector<16xf32>
      %select_n3A_315 = arith.select %eq3A_310, %add3A_32, %select_n3A_314 : vector<16xi1>, vector<16xf32>
      %swap3A_316 = arith.constant 19 : i32
      %swap3A_317 = arith.index_cast %swap3A_316 : i32 to index
      %swap3A_318 = arith.index_cast %mul3A_12 : i32 to index
      %swap3A_319 = tpu.vector_load %arg6[%swap3A_317, %swap3A_318] {strides = array<i32>} : memref<64x1024xf32, #tpu.memory_space<vmem>>, vector<1x16xf32>,
      %swap3A_320 = vector.shape_cast %swap3A_319 : vector<1x16xf32> to vector<16xf32>
      %swap3A_321 = vector.shape_cast %select_n3A_315 : vector<16xf32> to vector<1x16xf32>
      tpu.vector_store %arg6[%swap3A_317, %swap3A_318], %swap3A_321 {strides = array<i32>} : memref<64x1024xf32, #tpu.memory_space<vmem>>, vector<1x16xf32>,
      %eq3A_322 = arith.constant 2.000000e+01 : f32
      %eq3A_323 = vector.broadcast %eq3A_322 : f32 to vector<16xf32>
      %eq3A_324 = arith.cmpf oeq, %get3A_16, %eq3A_323 : vector<16xf32>
      %eq3A_325 = arith.constant 2.000000e+01 : f32
      %eq3A_326 = vector.broadcast %eq3A_325 : f32 to vector<16xf32>
      %eq3A_327 = arith.cmpf oeq, %get3A_21, %eq3A_326 : vector<16xf32>
      %select_n3A_328 = arith.select %eq3A_327, %add3A_43, %broadcast_in_dim3A_44 : vector<16xi1>, vector<16xf32>
      %select_n3A_329 = arith.select %eq3A_324, %add3A_32, %select_n3A_328 : vector<16xi1>, vector<16xf32>
      %swap3A_330 = arith.constant 20 : i32
      %swap3A_331 = arith.index_cast %swap3A_330 : i32 to index
      %swap3A_332 = arith.index_cast %mul3A_12 : i32 to index
      %swap3A_333 = tpu.vector_load %arg6[%swap3A_331, %swap3A_332] {strides = array<i32>} : memref<64x1024xf32, #tpu.memory_space<vmem>>, vector<1x16xf32>,
      %swap3A_334 = vector.shape_cast %swap3A_333 : vector<1x16xf32> to vector<16xf32>
      %swap3A_335 = vector.shape_cast %select_n3A_329 : vector<16xf32> to vector<1x16xf32>
      tpu.vector_store %arg6[%swap3A_331, %swap3A_332], %swap3A_335 {strides = array<i32>} : memref<64x1024xf32, #tpu.memory_space<vmem>>, vector<1x16xf32>,
      %eq3A_336 = arith.constant 2.100000e+01 : f32
      %eq3A_337 = vector.broadcast %eq3A_336 : f32 to vector<16xf32>
      %eq3A_338 = arith.cmpf oeq, %get3A_16, %eq3A_337 : vector<16xf32>
      %eq3A_339 = arith.constant 2.100000e+01 : f32
      %eq3A_340 = vector.broadcast %eq3A_339 : f32 to vector<16xf32>
      %eq3A_341 = arith.cmpf oeq, %get3A_21, %eq3A_340 : vector<16xf32>
      %select_n3A_342 = arith.select %eq3A_341, %add3A_43, %broadcast_in_dim3A_44 : vector<16xi1>, vector<16xf32>
      %select_n3A_343 = arith.select %eq3A_338, %add3A_32, %select_n3A_342 : vector<16xi1>, vector<16xf32>
      %swap3A_344 = arith.constant 21 : i32
      %swap3A_345 = arith.index_cast %swap3A_344 : i32 to index
      %swap3A_346 = arith.index_cast %mul3A_12 : i32 to index
      %swap3A_347 = tpu.vector_load %arg6[%swap3A_345, %swap3A_346] {strides = array<i32>} : memref<64x1024xf32, #tpu.memory_space<vmem>>, vector<1x16xf32>,
      %swap3A_348 = vector.shape_cast %swap3A_347 : vector<1x16xf32> to vector<16xf32>
      %swap3A_349 = vector.shape_cast %select_n3A_343 : vector<16xf32> to vector<1x16xf32>
      tpu.vector_store %arg6[%swap3A_345, %swap3A_346], %swap3A_349 {strides = array<i32>} : memref<64x1024xf32, #tpu.memory_space<vmem>>, vector<1x16xf32>,
      %eq3A_350 = arith.constant 2.200000e+01 : f32
      %eq3A_351 = vector.broadcast %eq3A_350 : f32 to vector<16xf32>
      %eq3A_352 = arith.cmpf oeq, %get3A_16, %eq3A_351 : vector<16xf32>
      %eq3A_353 = arith.constant 2.200000e+01 : f32
      %eq3A_354 = vector.broadcast %eq3A_353 : f32 to vector<16xf32>
      %eq3A_355 = arith.cmpf oeq, %get3A_21, %eq3A_354 : vector<16xf32>
      %select_n3A_356 = arith.select %eq3A_355, %add3A_43, %broadcast_in_dim3A_44 : vector<16xi1>, vector<16xf32>
      %select_n3A_357 = arith.select %eq3A_352, %add3A_32, %select_n3A_356 : vector<16xi1>, vector<16xf32>
      %swap3A_358 = arith.constant 22 : i32
      %swap3A_359 = arith.index_cast %swap3A_358 : i32 to index
      %swap3A_360 = arith.index_cast %mul3A_12 : i32 to index
      %swap3A_361 = tpu.vector_load %arg6[%swap3A_359, %swap3A_360] {strides = array<i32>} : memref<64x1024xf32, #tpu.memory_space<vmem>>, vector<1x16xf32>,
      %swap3A_362 = vector.shape_cast %swap3A_361 : vector<1x16xf32> to vector<16xf32>
      %swap3A_363 = vector.shape_cast %select_n3A_357 : vector<16xf32> to vector<1x16xf32>
      tpu.vector_store %arg6[%swap3A_359, %swap3A_360], %swap3A_363 {strides = array<i32>} : memref<64x1024xf32, #tpu.memory_space<vmem>>, vector<1x16xf32>,
      %eq3A_364 = arith.constant 2.300000e+01 : f32
      %eq3A_365 = vector.broadcast %eq3A_364 : f32 to vector<16xf32>
      %eq3A_366 = arith.cmpf oeq, %get3A_16, %eq3A_365 : vector<16xf32>
      %eq3A_367 = arith.constant 2.300000e+01 : f32
      %eq3A_368 = vector.broadcast %eq3A_367 : f32 to vector<16xf32>
      %eq3A_369 = arith.cmpf oeq, %get3A_21, %eq3A_368 : vector<16xf32>
      %select_n3A_370 = arith.select %eq3A_369, %add3A_43, %broadcast_in_dim3A_44 : vector<16xi1>, vector<16xf32>
      %select_n3A_371 = arith.select %eq3A_366, %add3A_32, %select_n3A_370 : vector<16xi1>, vector<16xf32>
      %swap3A_372 = arith.constant 23 : i32
      %swap3A_373 = arith.index_cast %swap3A_372 : i32 to index
      %swap3A_374 = arith.index_cast %mul3A_12 : i32 to index
      %swap3A_375 = tpu.vector_load %arg6[%swap3A_373, %swap3A_374] {strides = array<i32>} : memref<64x1024xf32, #tpu.memory_space<vmem>>, vector<1x16xf32>,
      %swap3A_376 = vector.shape_cast %swap3A_375 : vector<1x16xf32> to vector<16xf32>
      %swap3A_377 = vector.shape_cast %select_n3A_371 : vector<16xf32> to vector<1x16xf32>
      tpu.vector_store %arg6[%swap3A_373, %swap3A_374], %swap3A_377 {strides = array<i32>} : memref<64x1024xf32, #tpu.memory_space<vmem>>, vector<1x16xf32>,
      %eq3A_378 = arith.constant 2.400000e+01 : f32
      %eq3A_379 = vector.broadcast %eq3A_378 : f32 to vector<16xf32>
      %eq3A_380 = arith.cmpf oeq, %get3A_16, %eq3A_379 : vector<16xf32>
      %eq3A_381 = arith.constant 2.400000e+01 : f32
      %eq3A_382 = vector.broadcast %eq3A_381 : f32 to vector<16xf32>
      %eq3A_383 = arith.cmpf oeq, %get3A_21, %eq3A_382 : vector<16xf32>
      %select_n3A_384 = arith.select %eq3A_383, %add3A_43, %broadcast_in_dim3A_44 : vector<16xi1>, vector<16xf32>
      %select_n3A_385 = arith.select %eq3A_380, %add3A_32, %select_n3A_384 : vector<16xi1>, vector<16xf32>
      %swap3A_386 = arith.constant 24 : i32
      %swap3A_387 = arith.index_cast %swap3A_386 : i32 to index
      %swap3A_388 = arith.index_cast %mul3A_12 : i32 to index
      %swap3A_389 = tpu.vector_load %arg6[%swap3A_387, %swap3A_388] {strides = array<i32>} : memref<64x1024xf32, #tpu.memory_space<vmem>>, vector<1x16xf32>,
      %swap3A_390 = vector.shape_cast %swap3A_389 : vector<1x16xf32> to vector<16xf32>
      %swap3A_391 = vector.shape_cast %select_n3A_385 : vector<16xf32> to vector<1x16xf32>
      tpu.vector_store %arg6[%swap3A_387, %swap3A_388], %swap3A_391 {strides = array<i32>} : memref<64x1024xf32, #tpu.memory_space<vmem>>, vector<1x16xf32>,
      %eq3A_392 = arith.constant 2.500000e+01 : f32
      %eq3A_393 = vector.broadcast %eq3A_392 : f32 to vector<16xf32>
      %eq3A_394 = arith.cmpf oeq, %get3A_16, %eq3A_393 : vector<16xf32>
      %eq3A_395 = arith.constant 2.500000e+01 : f32
      %eq3A_396 = vector.broadcast %eq3A_395 : f32 to vector<16xf32>
      %eq3A_397 = arith.cmpf oeq, %get3A_21, %eq3A_396 : vector<16xf32>
      %select_n3A_398 = arith.select %eq3A_397, %add3A_43, %broadcast_in_dim3A_44 : vector<16xi1>, vector<16xf32>
      %select_n3A_399 = arith.select %eq3A_394, %add3A_32, %select_n3A_398 : vector<16xi1>, vector<16xf32>
      %swap3A_400 = arith.constant 25 : i32
      %swap3A_401 = arith.index_cast %swap3A_400 : i32 to index
      %swap3A_402 = arith.index_cast %mul3A_12 : i32 to index
      %swap3A_403 = tpu.vector_load %arg6[%swap3A_401, %swap3A_402] {strides = array<i32>} : memref<64x1024xf32, #tpu.memory_space<vmem>>, vector<1x16xf32>,
      %swap3A_404 = vector.shape_cast %swap3A_403 : vector<1x16xf32> to vector<16xf32>
      %swap3A_405 = vector.shape_cast %select_n3A_399 : vector<16xf32> to vector<1x16xf32>
      tpu.vector_store %arg6[%swap3A_401, %swap3A_402], %swap3A_405 {strides = array<i32>} : memref<64x1024xf32, #tpu.memory_space<vmem>>, vector<1x16xf32>,
      %eq3A_406 = arith.constant 2.600000e+01 : f32
      %eq3A_407 = vector.broadcast %eq3A_406 : f32 to vector<16xf32>
      %eq3A_408 = arith.cmpf oeq, %get3A_16, %eq3A_407 : vector<16xf32>
      %eq3A_409 = arith.constant 2.600000e+01 : f32
      %eq3A_410 = vector.broadcast %eq3A_409 : f32 to vector<16xf32>
      %eq3A_411 = arith.cmpf oeq, %get3A_21, %eq3A_410 : vector<16xf32>
      %select_n3A_412 = arith.select %eq3A_411, %add3A_43, %broadcast_in_dim3A_44 : vector<16xi1>, vector<16xf32>
      %select_n3A_413 = arith.select %eq3A_408, %add3A_32, %select_n3A_412 : vector<16xi1>, vector<16xf32>
      %swap3A_414 = arith.constant 26 : i32
      %swap3A_415 = arith.index_cast %swap3A_414 : i32 to index
      %swap3A_416 = arith.index_cast %mul3A_12 : i32 to index
      %swap3A_417 = tpu.vector_load %arg6[%swap3A_415, %swap3A_416] {strides = array<i32>} : memref<64x1024xf32, #tpu.memory_space<vmem>>, vector<1x16xf32>,
      %swap3A_418 = vector.shape_cast %swap3A_417 : vector<1x16xf32> to vector<16xf32>
      %swap3A_419 = vector.shape_cast %select_n3A_413 : vector<16xf32> to vector<1x16xf32>
      tpu.vector_store %arg6[%swap3A_415, %swap3A_416], %swap3A_419 {strides = array<i32>} : memref<64x1024xf32, #tpu.memory_space<vmem>>, vector<1x16xf32>,
      %eq3A_420 = arith.constant 2.700000e+01 : f32
      %eq3A_421 = vector.broadcast %eq3A_420 : f32 to vector<16xf32>
      %eq3A_422 = arith.cmpf oeq, %get3A_16, %eq3A_421 : vector<16xf32>
      %eq3A_423 = arith.constant 2.700000e+01 : f32
      %eq3A_424 = vector.broadcast %eq3A_423 : f32 to vector<16xf32>
      %eq3A_425 = arith.cmpf oeq, %get3A_21, %eq3A_424 : vector<16xf32>
      %select_n3A_426 = arith.select %eq3A_425, %add3A_43, %broadcast_in_dim3A_44 : vector<16xi1>, vector<16xf32>
      %select_n3A_427 = arith.select %eq3A_422, %add3A_32, %select_n3A_426 : vector<16xi1>, vector<16xf32>
      %swap3A_428 = arith.constant 27 : i32
      %swap3A_429 = arith.index_cast %swap3A_428 : i32 to index
      %swap3A_430 = arith.index_cast %mul3A_12 : i32 to index
      %swap3A_431 = tpu.vector_load %arg6[%swap3A_429, %swap3A_430] {strides = array<i32>} : memref<64x1024xf32, #tpu.memory_space<vmem>>, vector<1x16xf32>,
      %swap3A_432 = vector.shape_cast %swap3A_431 : vector<1x16xf32> to vector<16xf32>
      %swap3A_433 = vector.shape_cast %select_n3A_427 : vector<16xf32> to vector<1x16xf32>
      tpu.vector_store %arg6[%swap3A_429, %swap3A_430], %swap3A_433 {strides = array<i32>} : memref<64x1024xf32, #tpu.memory_space<vmem>>, vector<1x16xf32>,
      %eq3A_434 = arith.constant 2.800000e+01 : f32
      %eq3A_435 = vector.broadcast %eq3A_434 : f32 to vector<16xf32>
      %eq3A_436 = arith.cmpf oeq, %get3A_16, %eq3A_435 : vector<16xf32>
      %eq3A_437 = arith.constant 2.800000e+01 : f32
      %eq3A_438 = vector.broadcast %eq3A_437 : f32 to vector<16xf32>
      %eq3A_439 = arith.cmpf oeq, %get3A_21, %eq3A_438 : vector<16xf32>
      %select_n3A_440 = arith.select %eq3A_439, %add3A_43, %broadcast_in_dim3A_44 : vector<16xi1>, vector<16xf32>
      %select_n3A_441 = arith.select %eq3A_436, %add3A_32, %select_n3A_440 : vector<16xi1>, vector<16xf32>
      %swap3A_442 = arith.constant 28 : i32
      %swap3A_443 = arith.index_cast %swap3A_442 : i32 to index
      %swap3A_444 = arith.index_cast %mul3A_12 : i32 to index
      %swap3A_445 = tpu.vector_load %arg6[%swap3A_443, %swap3A_444] {strides = array<i32>} : memref<64x1024xf32, #tpu.memory_space<vmem>>, vector<1x16xf32>,
      %swap3A_446 = vector.shape_cast %swap3A_445 : vector<1x16xf32> to vector<16xf32>
      %swap3A_447 = vector.shape_cast %select_n3A_441 : vector<16xf32> to vector<1x16xf32>
      tpu.vector_store %arg6[%swap3A_443, %swap3A_444], %swap3A_447 {strides = array<i32>} : memref<64x1024xf32, #tpu.memory_space<vmem>>, vector<1x16xf32>,
      %eq3A_448 = arith.constant 2.900000e+01 : f32
      %eq3A_449 = vector.broadcast %eq3A_448 : f32 to vector<16xf32>
      %eq3A_450 = arith.cmpf oeq, %get3A_16, %eq3A_449 : vector<16xf32>
      %eq3A_451 = arith.constant 2.900000e+01 : f32
      %eq3A_452 = vector.broadcast %eq3A_451 : f32 to vector<16xf32>
      %eq3A_453 = arith.cmpf oeq, %get3A_21, %eq3A_452 : vector<16xf32>
      %select_n3A_454 = arith.select %eq3A_453, %add3A_43, %broadcast_in_dim3A_44 : vector<16xi1>, vector<16xf32>
      %select_n3A_455 = arith.select %eq3A_450, %add3A_32, %select_n3A_454 : vector<16xi1>, vector<16xf32>
      %swap3A_456 = arith.constant 29 : i32
      %swap3A_457 = arith.index_cast %swap3A_456 : i32 to index
      %swap3A_458 = arith.index_cast %mul3A_12 : i32 to index
      %swap3A_459 = tpu.vector_load %arg6[%swap3A_457, %swap3A_458] {strides = array<i32>} : memref<64x1024xf32, #tpu.memory_space<vmem>>, vector<1x16xf32>,
      %swap3A_460 = vector.shape_cast %swap3A_459 : vector<1x16xf32> to vector<16xf32>
      %swap3A_461 = vector.shape_cast %select_n3A_455 : vector<16xf32> to vector<1x16xf32>
      tpu.vector_store %arg6[%swap3A_457, %swap3A_458], %swap3A_461 {strides = array<i32>} : memref<64x1024xf32, #tpu.memory_space<vmem>>, vector<1x16xf32>,
      %eq3A_462 = arith.constant 3.000000e+01 : f32
      %eq3A_463 = vector.broadcast %eq3A_462 : f32 to vector<16xf32>
      %eq3A_464 = arith.cmpf oeq, %get3A_16, %eq3A_463 : vector<16xf32>
      %eq3A_465 = arith.constant 3.000000e+01 : f32
      %eq3A_466 = vector.broadcast %eq3A_465 : f32 to vector<16xf32>
      %eq3A_467 = arith.cmpf oeq, %get3A_21, %eq3A_466 : vector<16xf32>
      %select_n3A_468 = arith.select %eq3A_467, %add3A_43, %broadcast_in_dim3A_44 : vector<16xi1>, vector<16xf32>
      %select_n3A_469 = arith.select %eq3A_464, %add3A_32, %select_n3A_468 : vector<16xi1>, vector<16xf32>
      %swap3A_470 = arith.constant 30 : i32
      %swap3A_471 = arith.index_cast %swap3A_470 : i32 to index
      %swap3A_472 = arith.index_cast %mul3A_12 : i32 to index
      %swap3A_473 = tpu.vector_load %arg6[%swap3A_471, %swap3A_472] {strides = array<i32>} : memref<64x1024xf32, #tpu.memory_space<vmem>>, vector<1x16xf32>,
      %swap3A_474 = vector.shape_cast %swap3A_473 : vector<1x16xf32> to vector<16xf32>
      %swap3A_475 = vector.shape_cast %select_n3A_469 : vector<16xf32> to vector<1x16xf32>
      tpu.vector_store %arg6[%swap3A_471, %swap3A_472], %swap3A_475 {strides = array<i32>} : memref<64x1024xf32, #tpu.memory_space<vmem>>, vector<1x16xf32>,
      %eq3A_476 = arith.constant 3.100000e+01 : f32
      %eq3A_477 = vector.broadcast %eq3A_476 : f32 to vector<16xf32>
      %eq3A_478 = arith.cmpf oeq, %get3A_16, %eq3A_477 : vector<16xf32>
      %eq3A_479 = arith.constant 3.100000e+01 : f32
      %eq3A_480 = vector.broadcast %eq3A_479 : f32 to vector<16xf32>
      %eq3A_481 = arith.cmpf oeq, %get3A_21, %eq3A_480 : vector<16xf32>
      %select_n3A_482 = arith.select %eq3A_481, %add3A_43, %broadcast_in_dim3A_44 : vector<16xi1>, vector<16xf32>
      %select_n3A_483 = arith.select %eq3A_478, %add3A_32, %select_n3A_482 : vector<16xi1>, vector<16xf32>
      %swap3A_484 = arith.constant 31 : i32
      %swap3A_485 = arith.index_cast %swap3A_484 : i32 to index
      %swap3A_486 = arith.index_cast %mul3A_12 : i32 to index
      %swap3A_487 = tpu.vector_load %arg6[%swap3A_485, %swap3A_486] {strides = array<i32>} : memref<64x1024xf32, #tpu.memory_space<vmem>>, vector<1x16xf32>,
      %swap3A_488 = vector.shape_cast %swap3A_487 : vector<1x16xf32> to vector<16xf32>
      %swap3A_489 = vector.shape_cast %select_n3A_483 : vector<16xf32> to vector<1x16xf32>
      tpu.vector_store %arg6[%swap3A_485, %swap3A_486], %swap3A_489 {strides = array<i32>} : memref<64x1024xf32, #tpu.memory_space<vmem>>, vector<1x16xf32>,
      %eq3A_490 = arith.constant 3.200000e+01 : f32
      %eq3A_491 = vector.broadcast %eq3A_490 : f32 to vector<16xf32>
      %eq3A_492 = arith.cmpf oeq, %get3A_16, %eq3A_491 : vector<16xf32>
      %eq3A_493 = arith.constant 3.200000e+01 : f32
      %eq3A_494 = vector.broadcast %eq3A_493 : f32 to vector<16xf32>
      %eq3A_495 = arith.cmpf oeq, %get3A_21, %eq3A_494 : vector<16xf32>
      %select_n3A_496 = arith.select %eq3A_495, %add3A_43, %broadcast_in_dim3A_44 : vector<16xi1>, vector<16xf32>
      %select_n3A_497 = arith.select %eq3A_492, %add3A_32, %select_n3A_496 : vector<16xi1>, vector<16xf32>
      %swap3A_498 = arith.constant 32 : i32
      %swap3A_499 = arith.index_cast %swap3A_498 : i32 to index
      %swap3A_500 = arith.index_cast %mul3A_12 : i32 to index
      %swap3A_501 = tpu.vector_load %arg6[%swap3A_499, %swap3A_500] {strides = array<i32>} : memref<64x1024xf32, #tpu.memory_space<vmem>>, vector<1x16xf32>,
      %swap3A_502 = vector.shape_cast %swap3A_501 : vector<1x16xf32> to vector<16xf32>
      %swap3A_503 = vector.shape_cast %select_n3A_497 : vector<16xf32> to vector<1x16xf32>
      tpu.vector_store %arg6[%swap3A_499, %swap3A_500], %swap3A_503 {strides = array<i32>} : memref<64x1024xf32, #tpu.memory_space<vmem>>, vector<1x16xf32>,
      %eq3A_504 = arith.constant 3.300000e+01 : f32
      %eq3A_505 = vector.broadcast %eq3A_504 : f32 to vector<16xf32>
      %eq3A_506 = arith.cmpf oeq, %get3A_16, %eq3A_505 : vector<16xf32>
      %eq3A_507 = arith.constant 3.300000e+01 : f32
      %eq3A_508 = vector.broadcast %eq3A_507 : f32 to vector<16xf32>
      %eq3A_509 = arith.cmpf oeq, %get3A_21, %eq3A_508 : vector<16xf32>
      %select_n3A_510 = arith.select %eq3A_509, %add3A_43, %broadcast_in_dim3A_44 : vector<16xi1>, vector<16xf32>
      %select_n3A_511 = arith.select %eq3A_506, %add3A_32, %select_n3A_510 : vector<16xi1>, vector<16xf32>
      %swap3A_512 = arith.constant 33 : i32
      %swap3A_513 = arith.index_cast %swap3A_512 : i32 to index
      %swap3A_514 = arith.index_cast %mul3A_12 : i32 to index
      %swap3A_515 = tpu.vector_load %arg6[%swap3A_513, %swap3A_514] {strides = array<i32>} : memref<64x1024xf32, #tpu.memory_space<vmem>>, vector<1x16xf32>,
      %swap3A_516 = vector.shape_cast %swap3A_515 : vector<1x16xf32> to vector<16xf32>
      %swap3A_517 = vector.shape_cast %select_n3A_511 : vector<16xf32> to vector<1x16xf32>
      tpu.vector_store %arg6[%swap3A_513, %swap3A_514], %swap3A_517 {strides = array<i32>} : memref<64x1024xf32, #tpu.memory_space<vmem>>, vector<1x16xf32>,
      %eq3A_518 = arith.constant 3.400000e+01 : f32
      %eq3A_519 = vector.broadcast %eq3A_518 : f32 to vector<16xf32>
      %eq3A_520 = arith.cmpf oeq, %get3A_16, %eq3A_519 : vector<16xf32>
      %eq3A_521 = arith.constant 3.400000e+01 : f32
      %eq3A_522 = vector.broadcast %eq3A_521 : f32 to vector<16xf32>
      %eq3A_523 = arith.cmpf oeq, %get3A_21, %eq3A_522 : vector<16xf32>
      %select_n3A_524 = arith.select %eq3A_523, %add3A_43, %broadcast_in_dim3A_44 : vector<16xi1>, vector<16xf32>
      %select_n3A_525 = arith.select %eq3A_520, %add3A_32, %select_n3A_524 : vector<16xi1>, vector<16xf32>
      %swap3A_526 = arith.constant 34 : i32
      %swap3A_527 = arith.index_cast %swap3A_526 : i32 to index
      %swap3A_528 = arith.index_cast %mul3A_12 : i32 to index
      %swap3A_529 = tpu.vector_load %arg6[%swap3A_527, %swap3A_528] {strides = array<i32>} : memref<64x1024xf32, #tpu.memory_space<vmem>>, vector<1x16xf32>,
      %swap3A_530 = vector.shape_cast %swap3A_529 : vector<1x16xf32> to vector<16xf32>
      %swap3A_531 = vector.shape_cast %select_n3A_525 : vector<16xf32> to vector<1x16xf32>
      tpu.vector_store %arg6[%swap3A_527, %swap3A_528], %swap3A_531 {strides = array<i32>} : memref<64x1024xf32, #tpu.memory_space<vmem>>, vector<1x16xf32>,
      %eq3A_532 = arith.constant 3.500000e+01 : f32
      %eq3A_533 = vector.broadcast %eq3A_532 : f32 to vector<16xf32>
      %eq3A_534 = arith.cmpf oeq, %get3A_16, %eq3A_533 : vector<16xf32>
      %eq3A_535 = arith.constant 3.500000e+01 : f32
      %eq3A_536 = vector.broadcast %eq3A_535 : f32 to vector<16xf32>
      %eq3A_537 = arith.cmpf oeq, %get3A_21, %eq3A_536 : vector<16xf32>
      %select_n3A_538 = arith.select %eq3A_537, %add3A_43, %broadcast_in_dim3A_44 : vector<16xi1>, vector<16xf32>
      %select_n3A_539 = arith.select %eq3A_534, %add3A_32, %select_n3A_538 : vector<16xi1>, vector<16xf32>
      %swap3A_540 = arith.constant 35 : i32
      %swap3A_541 = arith.index_cast %swap3A_540 : i32 to index
      %swap3A_542 = arith.index_cast %mul3A_12 : i32 to index
      %swap3A_543 = tpu.vector_load %arg6[%swap3A_541, %swap3A_542] {strides = array<i32>} : memref<64x1024xf32, #tpu.memory_space<vmem>>, vector<1x16xf32>,
      %swap3A_544 = vector.shape_cast %swap3A_543 : vector<1x16xf32> to vector<16xf32>
      %swap3A_545 = vector.shape_cast %select_n3A_539 : vector<16xf32> to vector<1x16xf32>
      tpu.vector_store %arg6[%swap3A_541, %swap3A_542], %swap3A_545 {strides = array<i32>} : memref<64x1024xf32, #tpu.memory_space<vmem>>, vector<1x16xf32>,
      %eq3A_546 = arith.constant 3.600000e+01 : f32
      %eq3A_547 = vector.broadcast %eq3A_546 : f32 to vector<16xf32>
      %eq3A_548 = arith.cmpf oeq, %get3A_16, %eq3A_547 : vector<16xf32>
      %eq3A_549 = arith.constant 3.600000e+01 : f32
      %eq3A_550 = vector.broadcast %eq3A_549 : f32 to vector<16xf32>
      %eq3A_551 = arith.cmpf oeq, %get3A_21, %eq3A_550 : vector<16xf32>
      %select_n3A_552 = arith.select %eq3A_551, %add3A_43, %broadcast_in_dim3A_44 : vector<16xi1>, vector<16xf32>
      %select_n3A_553 = arith.select %eq3A_548, %add3A_32, %select_n3A_552 : vector<16xi1>, vector<16xf32>
      %swap3A_554 = arith.constant 36 : i32
      %swap3A_555 = arith.index_cast %swap3A_554 : i32 to index
      %swap3A_556 = arith.index_cast %mul3A_12 : i32 to index
      %swap3A_557 = tpu.vector_load %arg6[%swap3A_555, %swap3A_556] {strides = array<i32>} : memref<64x1024xf32, #tpu.memory_space<vmem>>, vector<1x16xf32>,
      %swap3A_558 = vector.shape_cast %swap3A_557 : vector<1x16xf32> to vector<16xf32>
      %swap3A_559 = vector.shape_cast %select_n3A_553 : vector<16xf32> to vector<1x16xf32>
      tpu.vector_store %arg6[%swap3A_555, %swap3A_556], %swap3A_559 {strides = array<i32>} : memref<64x1024xf32, #tpu.memory_space<vmem>>, vector<1x16xf32>,
      %eq3A_560 = arith.constant 3.700000e+01 : f32
      %eq3A_561 = vector.broadcast %eq3A_560 : f32 to vector<16xf32>
      %eq3A_562 = arith.cmpf oeq, %get3A_16, %eq3A_561 : vector<16xf32>
      %eq3A_563 = arith.constant 3.700000e+01 : f32
      %eq3A_564 = vector.broadcast %eq3A_563 : f32 to vector<16xf32>
      %eq3A_565 = arith.cmpf oeq, %get3A_21, %eq3A_564 : vector<16xf32>
      %select_n3A_566 = arith.select %eq3A_565, %add3A_43, %broadcast_in_dim3A_44 : vector<16xi1>, vector<16xf32>
      %select_n3A_567 = arith.select %eq3A_562, %add3A_32, %select_n3A_566 : vector<16xi1>, vector<16xf32>
      %swap3A_568 = arith.constant 37 : i32
      %swap3A_569 = arith.index_cast %swap3A_568 : i32 to index
      %swap3A_570 = arith.index_cast %mul3A_12 : i32 to index
      %swap3A_571 = tpu.vector_load %arg6[%swap3A_569, %swap3A_570] {strides = array<i32>} : memref<64x1024xf32, #tpu.memory_space<vmem>>, vector<1x16xf32>,
      %swap3A_572 = vector.shape_cast %swap3A_571 : vector<1x16xf32> to vector<16xf32>
      %swap3A_573 = vector.shape_cast %select_n3A_567 : vector<16xf32> to vector<1x16xf32>
      tpu.vector_store %arg6[%swap3A_569, %swap3A_570], %swap3A_573 {strides = array<i32>} : memref<64x1024xf32, #tpu.memory_space<vmem>>, vector<1x16xf32>,
      %eq3A_574 = arith.constant 3.800000e+01 : f32
      %eq3A_575 = vector.broadcast %eq3A_574 : f32 to vector<16xf32>
      %eq3A_576 = arith.cmpf oeq, %get3A_16, %eq3A_575 : vector<16xf32>
      %eq3A_577 = arith.constant 3.800000e+01 : f32
      %eq3A_578 = vector.broadcast %eq3A_577 : f32 to vector<16xf32>
      %eq3A_579 = arith.cmpf oeq, %get3A_21, %eq3A_578 : vector<16xf32>
      %select_n3A_580 = arith.select %eq3A_579, %add3A_43, %broadcast_in_dim3A_44 : vector<16xi1>, vector<16xf32>
      %select_n3A_581 = arith.select %eq3A_576, %add3A_32, %select_n3A_580 : vector<16xi1>, vector<16xf32>
      %swap3A_582 = arith.constant 38 : i32
      %swap3A_583 = arith.index_cast %swap3A_582 : i32 to index
      %swap3A_584 = arith.index_cast %mul3A_12 : i32 to index
      %swap3A_585 = tpu.vector_load %arg6[%swap3A_583, %swap3A_584] {strides = array<i32>} : memref<64x1024xf32, #tpu.memory_space<vmem>>, vector<1x16xf32>,
      %swap3A_586 = vector.shape_cast %swap3A_585 : vector<1x16xf32> to vector<16xf32>
      %swap3A_587 = vector.shape_cast %select_n3A_581 : vector<16xf32> to vector<1x16xf32>
      tpu.vector_store %arg6[%swap3A_583, %swap3A_584], %swap3A_587 {strides = array<i32>} : memref<64x1024xf32, #tpu.memory_space<vmem>>, vector<1x16xf32>,
      %eq3A_588 = arith.constant 3.900000e+01 : f32
      %eq3A_589 = vector.broadcast %eq3A_588 : f32 to vector<16xf32>
      %eq3A_590 = arith.cmpf oeq, %get3A_16, %eq3A_589 : vector<16xf32>
      %eq3A_591 = arith.constant 3.900000e+01 : f32
      %eq3A_592 = vector.broadcast %eq3A_591 : f32 to vector<16xf32>
      %eq3A_593 = arith.cmpf oeq, %get3A_21, %eq3A_592 : vector<16xf32>
      %select_n3A_594 = arith.select %eq3A_593, %add3A_43, %broadcast_in_dim3A_44 : vector<16xi1>, vector<16xf32>
      %select_n3A_595 = arith.select %eq3A_590, %add3A_32, %select_n3A_594 : vector<16xi1>, vector<16xf32>
      %swap3A_596 = arith.constant 39 : i32
      %swap3A_597 = arith.index_cast %swap3A_596 : i32 to index
      %swap3A_598 = arith.index_cast %mul3A_12 : i32 to index
      %swap3A_599 = tpu.vector_load %arg6[%swap3A_597, %swap3A_598] {strides = array<i32>} : memref<64x1024xf32, #tpu.memory_space<vmem>>, vector<1x16xf32>,
      %swap3A_600 = vector.shape_cast %swap3A_599 : vector<1x16xf32> to vector<16xf32>
      %swap3A_601 = vector.shape_cast %select_n3A_595 : vector<16xf32> to vector<1x16xf32>
      tpu.vector_store %arg6[%swap3A_597, %swap3A_598], %swap3A_601 {strides = array<i32>} : memref<64x1024xf32, #tpu.memory_space<vmem>>, vector<1x16xf32>,
      %eq3A_602 = arith.constant 4.000000e+01 : f32
      %eq3A_603 = vector.broadcast %eq3A_602 : f32 to vector<16xf32>
      %eq3A_604 = arith.cmpf oeq, %get3A_16, %eq3A_603 : vector<16xf32>
      %eq3A_605 = arith.constant 4.000000e+01 : f32
      %eq3A_606 = vector.broadcast %eq3A_605 : f32 to vector<16xf32>
      %eq3A_607 = arith.cmpf oeq, %get3A_21, %eq3A_606 : vector<16xf32>
      %select_n3A_608 = arith.select %eq3A_607, %add3A_43, %broadcast_in_dim3A_44 : vector<16xi1>, vector<16xf32>
      %select_n3A_609 = arith.select %eq3A_604, %add3A_32, %select_n3A_608 : vector<16xi1>, vector<16xf32>
      %swap3A_610 = arith.constant 40 : i32
      %swap3A_611 = arith.index_cast %swap3A_610 : i32 to index
      %swap3A_612 = arith.index_cast %mul3A_12 : i32 to index
      %swap3A_613 = tpu.vector_load %arg6[%swap3A_611, %swap3A_612] {strides = array<i32>} : memref<64x1024xf32, #tpu.memory_space<vmem>>, vector<1x16xf32>,
      %swap3A_614 = vector.shape_cast %swap3A_613 : vector<1x16xf32> to vector<16xf32>
      %swap3A_615 = vector.shape_cast %select_n3A_609 : vector<16xf32> to vector<1x16xf32>
      tpu.vector_store %arg6[%swap3A_611, %swap3A_612], %swap3A_615 {strides = array<i32>} : memref<64x1024xf32, #tpu.memory_space<vmem>>, vector<1x16xf32>,
      %eq3A_616 = arith.constant 4.100000e+01 : f32
      %eq3A_617 = vector.broadcast %eq3A_616 : f32 to vector<16xf32>
      %eq3A_618 = arith.cmpf oeq, %get3A_16, %eq3A_617 : vector<16xf32>
      %eq3A_619 = arith.constant 4.100000e+01 : f32
      %eq3A_620 = vector.broadcast %eq3A_619 : f32 to vector<16xf32>
      %eq3A_621 = arith.cmpf oeq, %get3A_21, %eq3A_620 : vector<16xf32>
      %select_n3A_622 = arith.select %eq3A_621, %add3A_43, %broadcast_in_dim3A_44 : vector<16xi1>, vector<16xf32>
      %select_n3A_623 = arith.select %eq3A_618, %add3A_32, %select_n3A_622 : vector<16xi1>, vector<16xf32>
      %swap3A_624 = arith.constant 41 : i32
      %swap3A_625 = arith.index_cast %swap3A_624 : i32 to index
      %swap3A_626 = arith.index_cast %mul3A_12 : i32 to index
      %swap3A_627 = tpu.vector_load %arg6[%swap3A_625, %swap3A_626] {strides = array<i32>} : memref<64x1024xf32, #tpu.memory_space<vmem>>, vector<1x16xf32>,
      %swap3A_628 = vector.shape_cast %swap3A_627 : vector<1x16xf32> to vector<16xf32>
      %swap3A_629 = vector.shape_cast %select_n3A_623 : vector<16xf32> to vector<1x16xf32>
      tpu.vector_store %arg6[%swap3A_625, %swap3A_626], %swap3A_629 {strides = array<i32>} : memref<64x1024xf32, #tpu.memory_space<vmem>>, vector<1x16xf32>,
      %eq3A_630 = arith.constant 4.200000e+01 : f32
      %eq3A_631 = vector.broadcast %eq3A_630 : f32 to vector<16xf32>
      %eq3A_632 = arith.cmpf oeq, %get3A_16, %eq3A_631 : vector<16xf32>
      %eq3A_633 = arith.constant 4.200000e+01 : f32
      %eq3A_634 = vector.broadcast %eq3A_633 : f32 to vector<16xf32>
      %eq3A_635 = arith.cmpf oeq, %get3A_21, %eq3A_634 : vector<16xf32>
      %select_n3A_636 = arith.select %eq3A_635, %add3A_43, %broadcast_in_dim3A_44 : vector<16xi1>, vector<16xf32>
      %select_n3A_637 = arith.select %eq3A_632, %add3A_32, %select_n3A_636 : vector<16xi1>, vector<16xf32>
      %swap3A_638 = arith.constant 42 : i32
      %swap3A_639 = arith.index_cast %swap3A_638 : i32 to index
      %swap3A_640 = arith.index_cast %mul3A_12 : i32 to index
      %swap3A_641 = tpu.vector_load %arg6[%swap3A_639, %swap3A_640] {strides = array<i32>} : memref<64x1024xf32, #tpu.memory_space<vmem>>, vector<1x16xf32>,
      %swap3A_642 = vector.shape_cast %swap3A_641 : vector<1x16xf32> to vector<16xf32>
      %swap3A_643 = vector.shape_cast %select_n3A_637 : vector<16xf32> to vector<1x16xf32>
      tpu.vector_store %arg6[%swap3A_639, %swap3A_640], %swap3A_643 {strides = array<i32>} : memref<64x1024xf32, #tpu.memory_space<vmem>>, vector<1x16xf32>,
      %eq3A_644 = arith.constant 4.300000e+01 : f32
      %eq3A_645 = vector.broadcast %eq3A_644 : f32 to vector<16xf32>
      %eq3A_646 = arith.cmpf oeq, %get3A_16, %eq3A_645 : vector<16xf32>
      %eq3A_647 = arith.constant 4.300000e+01 : f32
      %eq3A_648 = vector.broadcast %eq3A_647 : f32 to vector<16xf32>
      %eq3A_649 = arith.cmpf oeq, %get3A_21, %eq3A_648 : vector<16xf32>
      %select_n3A_650 = arith.select %eq3A_649, %add3A_43, %broadcast_in_dim3A_44 : vector<16xi1>, vector<16xf32>
      %select_n3A_651 = arith.select %eq3A_646, %add3A_32, %select_n3A_650 : vector<16xi1>, vector<16xf32>
      %swap3A_652 = arith.constant 43 : i32
      %swap3A_653 = arith.index_cast %swap3A_652 : i32 to index
      %swap3A_654 = arith.index_cast %mul3A_12 : i32 to index
      %swap3A_655 = tpu.vector_load %arg6[%swap3A_653, %swap3A_654] {strides = array<i32>} : memref<64x1024xf32, #tpu.memory_space<vmem>>, vector<1x16xf32>,
      %swap3A_656 = vector.shape_cast %swap3A_655 : vector<1x16xf32> to vector<16xf32>
      %swap3A_657 = vector.shape_cast %select_n3A_651 : vector<16xf32> to vector<1x16xf32>
      tpu.vector_store %arg6[%swap3A_653, %swap3A_654], %swap3A_657 {strides = array<i32>} : memref<64x1024xf32, #tpu.memory_space<vmem>>, vector<1x16xf32>,
      %eq3A_658 = arith.constant 4.400000e+01 : f32
      %eq3A_659 = vector.broadcast %eq3A_658 : f32 to vector<16xf32>
      %eq3A_660 = arith.cmpf oeq, %get3A_16, %eq3A_659 : vector<16xf32>
      %eq3A_661 = arith.constant 4.400000e+01 : f32
      %eq3A_662 = vector.broadcast %eq3A_661 : f32 to vector<16xf32>
      %eq3A_663 = arith.cmpf oeq, %get3A_21, %eq3A_662 : vector<16xf32>
      %select_n3A_664 = arith.select %eq3A_663, %add3A_43, %broadcast_in_dim3A_44 : vector<16xi1>, vector<16xf32>
      %select_n3A_665 = arith.select %eq3A_660, %add3A_32, %select_n3A_664 : vector<16xi1>, vector<16xf32>
      %swap3A_666 = arith.constant 44 : i32
      %swap3A_667 = arith.index_cast %swap3A_666 : i32 to index
      %swap3A_668 = arith.index_cast %mul3A_12 : i32 to index
      %swap3A_669 = tpu.vector_load %arg6[%swap3A_667, %swap3A_668] {strides = array<i32>} : memref<64x1024xf32, #tpu.memory_space<vmem>>, vector<1x16xf32>,
      %swap3A_670 = vector.shape_cast %swap3A_669 : vector<1x16xf32> to vector<16xf32>
      %swap3A_671 = vector.shape_cast %select_n3A_665 : vector<16xf32> to vector<1x16xf32>
      tpu.vector_store %arg6[%swap3A_667, %swap3A_668], %swap3A_671 {strides = array<i32>} : memref<64x1024xf32, #tpu.memory_space<vmem>>, vector<1x16xf32>,
      %eq3A_672 = arith.constant 4.500000e+01 : f32
      %eq3A_673 = vector.broadcast %eq3A_672 : f32 to vector<16xf32>
      %eq3A_674 = arith.cmpf oeq, %get3A_16, %eq3A_673 : vector<16xf32>
      %eq3A_675 = arith.constant 4.500000e+01 : f32
      %eq3A_676 = vector.broadcast %eq3A_675 : f32 to vector<16xf32>
      %eq3A_677 = arith.cmpf oeq, %get3A_21, %eq3A_676 : vector<16xf32>
      %select_n3A_678 = arith.select %eq3A_677, %add3A_43, %broadcast_in_dim3A_44 : vector<16xi1>, vector<16xf32>
      %select_n3A_679 = arith.select %eq3A_674, %add3A_32, %select_n3A_678 : vector<16xi1>, vector<16xf32>
      %swap3A_680 = arith.constant 45 : i32
      %swap3A_681 = arith.index_cast %swap3A_680 : i32 to index
      %swap3A_682 = arith.index_cast %mul3A_12 : i32 to index
      %swap3A_683 = tpu.vector_load %arg6[%swap3A_681, %swap3A_682] {strides = array<i32>} : memref<64x1024xf32, #tpu.memory_space<vmem>>, vector<1x16xf32>,
      %swap3A_684 = vector.shape_cast %swap3A_683 : vector<1x16xf32> to vector<16xf32>
      %swap3A_685 = vector.shape_cast %select_n3A_679 : vector<16xf32> to vector<1x16xf32>
      tpu.vector_store %arg6[%swap3A_681, %swap3A_682], %swap3A_685 {strides = array<i32>} : memref<64x1024xf32, #tpu.memory_space<vmem>>, vector<1x16xf32>,
      %eq3A_686 = arith.constant 4.600000e+01 : f32
      %eq3A_687 = vector.broadcast %eq3A_686 : f32 to vector<16xf32>
      %eq3A_688 = arith.cmpf oeq, %get3A_16, %eq3A_687 : vector<16xf32>
      %eq3A_689 = arith.constant 4.600000e+01 : f32
      %eq3A_690 = vector.broadcast %eq3A_689 : f32 to vector<16xf32>
      %eq3A_691 = arith.cmpf oeq, %get3A_21, %eq3A_690 : vector<16xf32>
      %select_n3A_692 = arith.select %eq3A_691, %add3A_43, %broadcast_in_dim3A_44 : vector<16xi1>, vector<16xf32>
      %select_n3A_693 = arith.select %eq3A_688, %add3A_32, %select_n3A_692 : vector<16xi1>, vector<16xf32>
      %swap3A_694 = arith.constant 46 : i32
      %swap3A_695 = arith.index_cast %swap3A_694 : i32 to index
      %swap3A_696 = arith.index_cast %mul3A_12 : i32 to index
      %swap3A_697 = tpu.vector_load %arg6[%swap3A_695, %swap3A_696] {strides = array<i32>} : memref<64x1024xf32, #tpu.memory_space<vmem>>, vector<1x16xf32>,
      %swap3A_698 = vector.shape_cast %swap3A_697 : vector<1x16xf32> to vector<16xf32>
      %swap3A_699 = vector.shape_cast %select_n3A_693 : vector<16xf32> to vector<1x16xf32>
      tpu.vector_store %arg6[%swap3A_695, %swap3A_696], %swap3A_699 {strides = array<i32>} : memref<64x1024xf32, #tpu.memory_space<vmem>>, vector<1x16xf32>,
      %eq3A_700 = arith.constant 4.700000e+01 : f32
      %eq3A_701 = vector.broadcast %eq3A_700 : f32 to vector<16xf32>
      %eq3A_702 = arith.cmpf oeq, %get3A_16, %eq3A_701 : vector<16xf32>
      %eq3A_703 = arith.constant 4.700000e+01 : f32
      %eq3A_704 = vector.broadcast %eq3A_703 : f32 to vector<16xf32>
      %eq3A_705 = arith.cmpf oeq, %get3A_21, %eq3A_704 : vector<16xf32>
      %select_n3A_706 = arith.select %eq3A_705, %add3A_43, %broadcast_in_dim3A_44 : vector<16xi1>, vector<16xf32>
      %select_n3A_707 = arith.select %eq3A_702, %add3A_32, %select_n3A_706 : vector<16xi1>, vector<16xf32>
      %swap3A_708 = arith.constant 47 : i32
      %swap3A_709 = arith.index_cast %swap3A_708 : i32 to index
      %swap3A_710 = arith.index_cast %mul3A_12 : i32 to index
      %swap3A_711 = tpu.vector_load %arg6[%swap3A_709, %swap3A_710] {strides = array<i32>} : memref<64x1024xf32, #tpu.memory_space<vmem>>, vector<1x16xf32>,
      %swap3A_712 = vector.shape_cast %swap3A_711 : vector<1x16xf32> to vector<16xf32>
      %swap3A_713 = vector.shape_cast %select_n3A_707 : vector<16xf32> to vector<1x16xf32>
      tpu.vector_store %arg6[%swap3A_709, %swap3A_710], %swap3A_713 {strides = array<i32>} : memref<64x1024xf32, #tpu.memory_space<vmem>>, vector<1x16xf32>,
      %eq3A_714 = arith.constant 4.800000e+01 : f32
      %eq3A_715 = vector.broadcast %eq3A_714 : f32 to vector<16xf32>
      %eq3A_716 = arith.cmpf oeq, %get3A_16, %eq3A_715 : vector<16xf32>
      %eq3A_717 = arith.constant 4.800000e+01 : f32
      %eq3A_718 = vector.broadcast %eq3A_717 : f32 to vector<16xf32>
      %eq3A_719 = arith.cmpf oeq, %get3A_21, %eq3A_718 : vector<16xf32>
      %select_n3A_720 = arith.select %eq3A_719, %add3A_43, %broadcast_in_dim3A_44 : vector<16xi1>, vector<16xf32>
      %select_n3A_721 = arith.select %eq3A_716, %add3A_32, %select_n3A_720 : vector<16xi1>, vector<16xf32>
      %swap3A_722 = arith.constant 48 : i32
      %swap3A_723 = arith.index_cast %swap3A_722 : i32 to index
      %swap3A_724 = arith.index_cast %mul3A_12 : i32 to index
      %swap3A_725 = tpu.vector_load %arg6[%swap3A_723, %swap3A_724] {strides = array<i32>} : memref<64x1024xf32, #tpu.memory_space<vmem>>, vector<1x16xf32>,
      %swap3A_726 = vector.shape_cast %swap3A_725 : vector<1x16xf32> to vector<16xf32>
      %swap3A_727 = vector.shape_cast %select_n3A_721 : vector<16xf32> to vector<1x16xf32>
      tpu.vector_store %arg6[%swap3A_723, %swap3A_724], %swap3A_727 {strides = array<i32>} : memref<64x1024xf32, #tpu.memory_space<vmem>>, vector<1x16xf32>,
      %eq3A_728 = arith.constant 4.900000e+01 : f32
      %eq3A_729 = vector.broadcast %eq3A_728 : f32 to vector<16xf32>
      %eq3A_730 = arith.cmpf oeq, %get3A_16, %eq3A_729 : vector<16xf32>
      %eq3A_731 = arith.constant 4.900000e+01 : f32
      %eq3A_732 = vector.broadcast %eq3A_731 : f32 to vector<16xf32>
      %eq3A_733 = arith.cmpf oeq, %get3A_21, %eq3A_732 : vector<16xf32>
      %select_n3A_734 = arith.select %eq3A_733, %add3A_43, %broadcast_in_dim3A_44 : vector<16xi1>, vector<16xf32>
      %select_n3A_735 = arith.select %eq3A_730, %add3A_32, %select_n3A_734 : vector<16xi1>, vector<16xf32>
      %swap3A_736 = arith.constant 49 : i32
      %swap3A_737 = arith.index_cast %swap3A_736 : i32 to index
      %swap3A_738 = arith.index_cast %mul3A_12 : i32 to index
      %swap3A_739 = tpu.vector_load %arg6[%swap3A_737, %swap3A_738] {strides = array<i32>} : memref<64x1024xf32, #tpu.memory_space<vmem>>, vector<1x16xf32>,
      %swap3A_740 = vector.shape_cast %swap3A_739 : vector<1x16xf32> to vector<16xf32>
      %swap3A_741 = vector.shape_cast %select_n3A_735 : vector<16xf32> to vector<1x16xf32>
      tpu.vector_store %arg6[%swap3A_737, %swap3A_738], %swap3A_741 {strides = array<i32>} : memref<64x1024xf32, #tpu.memory_space<vmem>>, vector<1x16xf32>,
      %eq3A_742 = arith.constant 5.000000e+01 : f32
      %eq3A_743 = vector.broadcast %eq3A_742 : f32 to vector<16xf32>
      %eq3A_744 = arith.cmpf oeq, %get3A_16, %eq3A_743 : vector<16xf32>
      %eq3A_745 = arith.constant 5.000000e+01 : f32
      %eq3A_746 = vector.broadcast %eq3A_745 : f32 to vector<16xf32>
      %eq3A_747 = arith.cmpf oeq, %get3A_21, %eq3A_746 : vector<16xf32>
      %select_n3A_748 = arith.select %eq3A_747, %add3A_43, %broadcast_in_dim3A_44 : vector<16xi1>, vector<16xf32>
      %select_n3A_749 = arith.select %eq3A_744, %add3A_32, %select_n3A_748 : vector<16xi1>, vector<16xf32>
      %swap3A_750 = arith.constant 50 : i32
      %swap3A_751 = arith.index_cast %swap3A_750 : i32 to index
      %swap3A_752 = arith.index_cast %mul3A_12 : i32 to index
      %swap3A_753 = tpu.vector_load %arg6[%swap3A_751, %swap3A_752] {strides = array<i32>} : memref<64x1024xf32, #tpu.memory_space<vmem>>, vector<1x16xf32>,
      %swap3A_754 = vector.shape_cast %swap3A_753 : vector<1x16xf32> to vector<16xf32>
      %swap3A_755 = vector.shape_cast %select_n3A_749 : vector<16xf32> to vector<1x16xf32>
      tpu.vector_store %arg6[%swap3A_751, %swap3A_752], %swap3A_755 {strides = array<i32>} : memref<64x1024xf32, #tpu.memory_space<vmem>>, vector<1x16xf32>,
      %eq3A_756 = arith.constant 5.100000e+01 : f32
      %eq3A_757 = vector.broadcast %eq3A_756 : f32 to vector<16xf32>
      %eq3A_758 = arith.cmpf oeq, %get3A_16, %eq3A_757 : vector<16xf32>
      %eq3A_759 = arith.constant 5.100000e+01 : f32
      %eq3A_760 = vector.broadcast %eq3A_759 : f32 to vector<16xf32>
      %eq3A_761 = arith.cmpf oeq, %get3A_21, %eq3A_760 : vector<16xf32>
      %select_n3A_762 = arith.select %eq3A_761, %add3A_43, %broadcast_in_dim3A_44 : vector<16xi1>, vector<16xf32>
      %select_n3A_763 = arith.select %eq3A_758, %add3A_32, %select_n3A_762 : vector<16xi1>, vector<16xf32>
      %swap3A_764 = arith.constant 51 : i32
      %swap3A_765 = arith.index_cast %swap3A_764 : i32 to index
      %swap3A_766 = arith.index_cast %mul3A_12 : i32 to index
      %swap3A_767 = tpu.vector_load %arg6[%swap3A_765, %swap3A_766] {strides = array<i32>} : memref<64x1024xf32, #tpu.memory_space<vmem>>, vector<1x16xf32>,
      %swap3A_768 = vector.shape_cast %swap3A_767 : vector<1x16xf32> to vector<16xf32>
      %swap3A_769 = vector.shape_cast %select_n3A_763 : vector<16xf32> to vector<1x16xf32>
      tpu.vector_store %arg6[%swap3A_765, %swap3A_766], %swap3A_769 {strides = array<i32>} : memref<64x1024xf32, #tpu.memory_space<vmem>>, vector<1x16xf32>,
      %eq3A_770 = arith.constant 5.200000e+01 : f32
      %eq3A_771 = vector.broadcast %eq3A_770 : f32 to vector<16xf32>
      %eq3A_772 = arith.cmpf oeq, %get3A_16, %eq3A_771 : vector<16xf32>
      %eq3A_773 = arith.constant 5.200000e+01 : f32
      %eq3A_774 = vector.broadcast %eq3A_773 : f32 to vector<16xf32>
      %eq3A_775 = arith.cmpf oeq, %get3A_21, %eq3A_774 : vector<16xf32>
      %select_n3A_776 = arith.select %eq3A_775, %add3A_43, %broadcast_in_dim3A_44 : vector<16xi1>, vector<16xf32>
      %select_n3A_777 = arith.select %eq3A_772, %add3A_32, %select_n3A_776 : vector<16xi1>, vector<16xf32>
      %swap3A_778 = arith.constant 52 : i32
      %swap3A_779 = arith.index_cast %swap3A_778 : i32 to index
      %swap3A_780 = arith.index_cast %mul3A_12 : i32 to index
      %swap3A_781 = tpu.vector_load %arg6[%swap3A_779, %swap3A_780] {strides = array<i32>} : memref<64x1024xf32, #tpu.memory_space<vmem>>, vector<1x16xf32>,
      %swap3A_782 = vector.shape_cast %swap3A_781 : vector<1x16xf32> to vector<16xf32>
      %swap3A_783 = vector.shape_cast %select_n3A_777 : vector<16xf32> to vector<1x16xf32>
      tpu.vector_store %arg6[%swap3A_779, %swap3A_780], %swap3A_783 {strides = array<i32>} : memref<64x1024xf32, #tpu.memory_space<vmem>>, vector<1x16xf32>,
      %eq3A_784 = arith.constant 5.300000e+01 : f32
      %eq3A_785 = vector.broadcast %eq3A_784 : f32 to vector<16xf32>
      %eq3A_786 = arith.cmpf oeq, %get3A_16, %eq3A_785 : vector<16xf32>
      %eq3A_787 = arith.constant 5.300000e+01 : f32
      %eq3A_788 = vector.broadcast %eq3A_787 : f32 to vector<16xf32>
      %eq3A_789 = arith.cmpf oeq, %get3A_21, %eq3A_788 : vector<16xf32>
      %select_n3A_790 = arith.select %eq3A_789, %add3A_43, %broadcast_in_dim3A_44 : vector<16xi1>, vector<16xf32>
      %select_n3A_791 = arith.select %eq3A_786, %add3A_32, %select_n3A_790 : vector<16xi1>, vector<16xf32>
      %swap3A_792 = arith.constant 53 : i32
      %swap3A_793 = arith.index_cast %swap3A_792 : i32 to index
      %swap3A_794 = arith.index_cast %mul3A_12 : i32 to index
      %swap3A_795 = tpu.vector_load %arg6[%swap3A_793, %swap3A_794] {strides = array<i32>} : memref<64x1024xf32, #tpu.memory_space<vmem>>, vector<1x16xf32>,
      %swap3A_796 = vector.shape_cast %swap3A_795 : vector<1x16xf32> to vector<16xf32>
      %swap3A_797 = vector.shape_cast %select_n3A_791 : vector<16xf32> to vector<1x16xf32>
      tpu.vector_store %arg6[%swap3A_793, %swap3A_794], %swap3A_797 {strides = array<i32>} : memref<64x1024xf32, #tpu.memory_space<vmem>>, vector<1x16xf32>,
      %eq3A_798 = arith.constant 5.400000e+01 : f32
      %eq3A_799 = vector.broadcast %eq3A_798 : f32 to vector<16xf32>
      %eq3A_800 = arith.cmpf oeq, %get3A_16, %eq3A_799 : vector<16xf32>
      %eq3A_801 = arith.constant 5.400000e+01 : f32
      %eq3A_802 = vector.broadcast %eq3A_801 : f32 to vector<16xf32>
      %eq3A_803 = arith.cmpf oeq, %get3A_21, %eq3A_802 : vector<16xf32>
      %select_n3A_804 = arith.select %eq3A_803, %add3A_43, %broadcast_in_dim3A_44 : vector<16xi1>, vector<16xf32>
      %select_n3A_805 = arith.select %eq3A_800, %add3A_32, %select_n3A_804 : vector<16xi1>, vector<16xf32>
      %swap3A_806 = arith.constant 54 : i32
      %swap3A_807 = arith.index_cast %swap3A_806 : i32 to index
      %swap3A_808 = arith.index_cast %mul3A_12 : i32 to index
      %swap3A_809 = tpu.vector_load %arg6[%swap3A_807, %swap3A_808] {strides = array<i32>} : memref<64x1024xf32, #tpu.memory_space<vmem>>, vector<1x16xf32>,
      %swap3A_810 = vector.shape_cast %swap3A_809 : vector<1x16xf32> to vector<16xf32>
      %swap3A_811 = vector.shape_cast %select_n3A_805 : vector<16xf32> to vector<1x16xf32>
      tpu.vector_store %arg6[%swap3A_807, %swap3A_808], %swap3A_811 {strides = array<i32>} : memref<64x1024xf32, #tpu.memory_space<vmem>>, vector<1x16xf32>,
      %eq3A_812 = arith.constant 5.500000e+01 : f32
      %eq3A_813 = vector.broadcast %eq3A_812 : f32 to vector<16xf32>
      %eq3A_814 = arith.cmpf oeq, %get3A_16, %eq3A_813 : vector<16xf32>
      %eq3A_815 = arith.constant 5.500000e+01 : f32
      %eq3A_816 = vector.broadcast %eq3A_815 : f32 to vector<16xf32>
      %eq3A_817 = arith.cmpf oeq, %get3A_21, %eq3A_816 : vector<16xf32>
      %select_n3A_818 = arith.select %eq3A_817, %add3A_43, %broadcast_in_dim3A_44 : vector<16xi1>, vector<16xf32>
      %select_n3A_819 = arith.select %eq3A_814, %add3A_32, %select_n3A_818 : vector<16xi1>, vector<16xf32>
      %swap3A_820 = arith.constant 55 : i32
      %swap3A_821 = arith.index_cast %swap3A_820 : i32 to index
      %swap3A_822 = arith.index_cast %mul3A_12 : i32 to index
      %swap3A_823 = tpu.vector_load %arg6[%swap3A_821, %swap3A_822] {strides = array<i32>} : memref<64x1024xf32, #tpu.memory_space<vmem>>, vector<1x16xf32>,
      %swap3A_824 = vector.shape_cast %swap3A_823 : vector<1x16xf32> to vector<16xf32>
      %swap3A_825 = vector.shape_cast %select_n3A_819 : vector<16xf32> to vector<1x16xf32>
      tpu.vector_store %arg6[%swap3A_821, %swap3A_822], %swap3A_825 {strides = array<i32>} : memref<64x1024xf32, #tpu.memory_space<vmem>>, vector<1x16xf32>,
      %eq3A_826 = arith.constant 5.600000e+01 : f32
      %eq3A_827 = vector.broadcast %eq3A_826 : f32 to vector<16xf32>
      %eq3A_828 = arith.cmpf oeq, %get3A_16, %eq3A_827 : vector<16xf32>
      %eq3A_829 = arith.constant 5.600000e+01 : f32
      %eq3A_830 = vector.broadcast %eq3A_829 : f32 to vector<16xf32>
      %eq3A_831 = arith.cmpf oeq, %get3A_21, %eq3A_830 : vector<16xf32>
      %select_n3A_832 = arith.select %eq3A_831, %add3A_43, %broadcast_in_dim3A_44 : vector<16xi1>, vector<16xf32>
      %select_n3A_833 = arith.select %eq3A_828, %add3A_32, %select_n3A_832 : vector<16xi1>, vector<16xf32>
      %swap3A_834 = arith.constant 56 : i32
      %swap3A_835 = arith.index_cast %swap3A_834 : i32 to index
      %swap3A_836 = arith.index_cast %mul3A_12 : i32 to index
      %swap3A_837 = tpu.vector_load %arg6[%swap3A_835, %swap3A_836] {strides = array<i32>} : memref<64x1024xf32, #tpu.memory_space<vmem>>, vector<1x16xf32>,
      %swap3A_838 = vector.shape_cast %swap3A_837 : vector<1x16xf32> to vector<16xf32>
      %swap3A_839 = vector.shape_cast %select_n3A_833 : vector<16xf32> to vector<1x16xf32>
      tpu.vector_store %arg6[%swap3A_835, %swap3A_836], %swap3A_839 {strides = array<i32>} : memref<64x1024xf32, #tpu.memory_space<vmem>>, vector<1x16xf32>,
      %eq3A_840 = arith.constant 5.700000e+01 : f32
      %eq3A_841 = vector.broadcast %eq3A_840 : f32 to vector<16xf32>
      %eq3A_842 = arith.cmpf oeq, %get3A_16, %eq3A_841 : vector<16xf32>
      %eq3A_843 = arith.constant 5.700000e+01 : f32
      %eq3A_844 = vector.broadcast %eq3A_843 : f32 to vector<16xf32>
      %eq3A_845 = arith.cmpf oeq, %get3A_21, %eq3A_844 : vector<16xf32>
      %select_n3A_846 = arith.select %eq3A_845, %add3A_43, %broadcast_in_dim3A_44 : vector<16xi1>, vector<16xf32>
      %select_n3A_847 = arith.select %eq3A_842, %add3A_32, %select_n3A_846 : vector<16xi1>, vector<16xf32>
      %swap3A_848 = arith.constant 57 : i32
      %swap3A_849 = arith.index_cast %swap3A_848 : i32 to index
      %swap3A_850 = arith.index_cast %mul3A_12 : i32 to index
      %swap3A_851 = tpu.vector_load %arg6[%swap3A_849, %swap3A_850] {strides = array<i32>} : memref<64x1024xf32, #tpu.memory_space<vmem>>, vector<1x16xf32>,
      %swap3A_852 = vector.shape_cast %swap3A_851 : vector<1x16xf32> to vector<16xf32>
      %swap3A_853 = vector.shape_cast %select_n3A_847 : vector<16xf32> to vector<1x16xf32>
      tpu.vector_store %arg6[%swap3A_849, %swap3A_850], %swap3A_853 {strides = array<i32>} : memref<64x1024xf32, #tpu.memory_space<vmem>>, vector<1x16xf32>,
      %eq3A_854 = arith.constant 5.800000e+01 : f32
      %eq3A_855 = vector.broadcast %eq3A_854 : f32 to vector<16xf32>
      %eq3A_856 = arith.cmpf oeq, %get3A_16, %eq3A_855 : vector<16xf32>
      %eq3A_857 = arith.constant 5.800000e+01 : f32
      %eq3A_858 = vector.broadcast %eq3A_857 : f32 to vector<16xf32>
      %eq3A_859 = arith.cmpf oeq, %get3A_21, %eq3A_858 : vector<16xf32>
      %select_n3A_860 = arith.select %eq3A_859, %add3A_43, %broadcast_in_dim3A_44 : vector<16xi1>, vector<16xf32>
      %select_n3A_861 = arith.select %eq3A_856, %add3A_32, %select_n3A_860 : vector<16xi1>, vector<16xf32>
      %swap3A_862 = arith.constant 58 : i32
      %swap3A_863 = arith.index_cast %swap3A_862 : i32 to index
      %swap3A_864 = arith.index_cast %mul3A_12 : i32 to index
      %swap3A_865 = tpu.vector_load %arg6[%swap3A_863, %swap3A_864] {strides = array<i32>} : memref<64x1024xf32, #tpu.memory_space<vmem>>, vector<1x16xf32>,
      %swap3A_866 = vector.shape_cast %swap3A_865 : vector<1x16xf32> to vector<16xf32>
      %swap3A_867 = vector.shape_cast %select_n3A_861 : vector<16xf32> to vector<1x16xf32>
      tpu.vector_store %arg6[%swap3A_863, %swap3A_864], %swap3A_867 {strides = array<i32>} : memref<64x1024xf32, #tpu.memory_space<vmem>>, vector<1x16xf32>,
      %eq3A_868 = arith.constant 5.900000e+01 : f32
      %eq3A_869 = vector.broadcast %eq3A_868 : f32 to vector<16xf32>
      %eq3A_870 = arith.cmpf oeq, %get3A_16, %eq3A_869 : vector<16xf32>
      %eq3A_871 = arith.constant 5.900000e+01 : f32
      %eq3A_872 = vector.broadcast %eq3A_871 : f32 to vector<16xf32>
      %eq3A_873 = arith.cmpf oeq, %get3A_21, %eq3A_872 : vector<16xf32>
      %select_n3A_874 = arith.select %eq3A_873, %add3A_43, %broadcast_in_dim3A_44 : vector<16xi1>, vector<16xf32>
      %select_n3A_875 = arith.select %eq3A_870, %add3A_32, %select_n3A_874 : vector<16xi1>, vector<16xf32>
      %swap3A_876 = arith.constant 59 : i32
      %swap3A_877 = arith.index_cast %swap3A_876 : i32 to index
      %swap3A_878 = arith.index_cast %mul3A_12 : i32 to index
      %swap3A_879 = tpu.vector_load %arg6[%swap3A_877, %swap3A_878] {strides = array<i32>} : memref<64x1024xf32, #tpu.memory_space<vmem>>, vector<1x16xf32>,
      %swap3A_880 = vector.shape_cast %swap3A_879 : vector<1x16xf32> to vector<16xf32>
      %swap3A_881 = vector.shape_cast %select_n3A_875 : vector<16xf32> to vector<1x16xf32>
      tpu.vector_store %arg6[%swap3A_877, %swap3A_878], %swap3A_881 {strides = array<i32>} : memref<64x1024xf32, #tpu.memory_space<vmem>>, vector<1x16xf32>,
      %eq3A_882 = arith.constant 6.000000e+01 : f32
      %eq3A_883 = vector.broadcast %eq3A_882 : f32 to vector<16xf32>
      %eq3A_884 = arith.cmpf oeq, %get3A_16, %eq3A_883 : vector<16xf32>
      %eq3A_885 = arith.constant 6.000000e+01 : f32
      %eq3A_886 = vector.broadcast %eq3A_885 : f32 to vector<16xf32>
      %eq3A_887 = arith.cmpf oeq, %get3A_21, %eq3A_886 : vector<16xf32>
      %select_n3A_888 = arith.select %eq3A_887, %add3A_43, %broadcast_in_dim3A_44 : vector<16xi1>, vector<16xf32>
      %select_n3A_889 = arith.select %eq3A_884, %add3A_32, %select_n3A_888 : vector<16xi1>, vector<16xf32>
      %swap3A_890 = arith.constant 60 : i32
      %swap3A_891 = arith.index_cast %swap3A_890 : i32 to index
      %swap3A_892 = arith.index_cast %mul3A_12 : i32 to index
      %swap3A_893 = tpu.vector_load %arg6[%swap3A_891, %swap3A_892] {strides = array<i32>} : memref<64x1024xf32, #tpu.memory_space<vmem>>, vector<1x16xf32>,
      %swap3A_894 = vector.shape_cast %swap3A_893 : vector<1x16xf32> to vector<16xf32>
      %swap3A_895 = vector.shape_cast %select_n3A_889 : vector<16xf32> to vector<1x16xf32>
      tpu.vector_store %arg6[%swap3A_891, %swap3A_892], %swap3A_895 {strides = array<i32>} : memref<64x1024xf32, #tpu.memory_space<vmem>>, vector<1x16xf32>,
      %eq3A_896 = arith.constant 6.100000e+01 : f32
      %eq3A_897 = vector.broadcast %eq3A_896 : f32 to vector<16xf32>
      %eq3A_898 = arith.cmpf oeq, %get3A_16, %eq3A_897 : vector<16xf32>
      %eq3A_899 = arith.constant 6.100000e+01 : f32
      %eq3A_900 = vector.broadcast %eq3A_899 : f32 to vector<16xf32>
      %eq3A_901 = arith.cmpf oeq, %get3A_21, %eq3A_900 : vector<16xf32>
      %select_n3A_902 = arith.select %eq3A_901, %add3A_43, %broadcast_in_dim3A_44 : vector<16xi1>, vector<16xf32>
      %select_n3A_903 = arith.select %eq3A_898, %add3A_32, %select_n3A_902 : vector<16xi1>, vector<16xf32>
      %swap3A_904 = arith.constant 61 : i32
      %swap3A_905 = arith.index_cast %swap3A_904 : i32 to index
      %swap3A_906 = arith.index_cast %mul3A_12 : i32 to index
      %swap3A_907 = tpu.vector_load %arg6[%swap3A_905, %swap3A_906] {strides = array<i32>} : memref<64x1024xf32, #tpu.memory_space<vmem>>, vector<1x16xf32>,
      %swap3A_908 = vector.shape_cast %swap3A_907 : vector<1x16xf32> to vector<16xf32>
      %swap3A_909 = vector.shape_cast %select_n3A_903 : vector<16xf32> to vector<1x16xf32>
      tpu.vector_store %arg6[%swap3A_905, %swap3A_906], %swap3A_909 {strides = array<i32>} : memref<64x1024xf32, #tpu.memory_space<vmem>>, vector<1x16xf32>,
      %eq3A_910 = arith.constant 6.200000e+01 : f32
      %eq3A_911 = vector.broadcast %eq3A_910 : f32 to vector<16xf32>
      %eq3A_912 = arith.cmpf oeq, %get3A_16, %eq3A_911 : vector<16xf32>
      %eq3A_913 = arith.constant 6.200000e+01 : f32
      %eq3A_914 = vector.broadcast %eq3A_913 : f32 to vector<16xf32>
      %eq3A_915 = arith.cmpf oeq, %get3A_21, %eq3A_914 : vector<16xf32>
      %select_n3A_916 = arith.select %eq3A_915, %add3A_43, %broadcast_in_dim3A_44 : vector<16xi1>, vector<16xf32>
      %select_n3A_917 = arith.select %eq3A_912, %add3A_32, %select_n3A_916 : vector<16xi1>, vector<16xf32>
      %swap3A_918 = arith.constant 62 : i32
      %swap3A_919 = arith.index_cast %swap3A_918 : i32 to index
      %swap3A_920 = arith.index_cast %mul3A_12 : i32 to index
      %swap3A_921 = tpu.vector_load %arg6[%swap3A_919, %swap3A_920] {strides = array<i32>} : memref<64x1024xf32, #tpu.memory_space<vmem>>, vector<1x16xf32>,
      %swap3A_922 = vector.shape_cast %swap3A_921 : vector<1x16xf32> to vector<16xf32>
      %swap3A_923 = vector.shape_cast %select_n3A_917 : vector<16xf32> to vector<1x16xf32>
      tpu.vector_store %arg6[%swap3A_919, %swap3A_920], %swap3A_923 {strides = array<i32>} : memref<64x1024xf32, #tpu.memory_space<vmem>>, vector<1x16xf32>,
      %eq3A_924 = arith.constant 6.300000e+01 : f32
      %eq3A_925 = vector.broadcast %eq3A_924 : f32 to vector<16xf32>
      %eq3A_926 = arith.cmpf oeq, %get3A_16, %eq3A_925 : vector<16xf32>
      %eq3A_927 = arith.constant 6.300000e+01 : f32
      %eq3A_928 = vector.broadcast %eq3A_927 : f32 to vector<16xf32>
      %eq3A_929 = arith.cmpf oeq, %get3A_21, %eq3A_928 : vector<16xf32>
      %select_n3A_930 = arith.select %eq3A_929, %add3A_43, %broadcast_in_dim3A_44 : vector<16xi1>, vector<16xf32>
      %select_n3A_931 = arith.select %eq3A_926, %add3A_32, %select_n3A_930 : vector<16xi1>, vector<16xf32>
      %swap3A_932 = arith.constant 63 : i32
      %swap3A_933 = arith.index_cast %swap3A_932 : i32 to index
      %swap3A_934 = arith.index_cast %mul3A_12 : i32 to index
      %swap3A_935 = tpu.vector_load %arg6[%swap3A_933, %swap3A_934] {strides = array<i32>} : memref<64x1024xf32, #tpu.memory_space<vmem>>, vector<1x16xf32>,
      %swap3A_936 = vector.shape_cast %swap3A_935 : vector<1x16xf32> to vector<16xf32>
      %swap3A_937 = vector.shape_cast %select_n3A_931 : vector<16xf32> to vector<1x16xf32>
      tpu.vector_store %arg6[%swap3A_933, %swap3A_934], %swap3A_937 {strides = array<i32>} : memref<64x1024xf32, #tpu.memory_space<vmem>>, vector<1x16xf32>,
      %convert_element_type3A = arith.fptosi %get3A_16 : vector<16xf32> to vector<16xi32>
      %swap3A_938 = arith.constant 0 : i32
      %swap3A_939 = arith.index_cast %swap3A_938 : i32 to index
      %swap3A_940 = arith.index_cast %mul3A_12 : i32 to index
      %swap3A_941 = tpu.vector_load %arg7[%swap3A_939, %swap3A_940] {strides = array<i32>} : memref<2x1024xi32, #tpu.memory_space<vmem>>, vector<1x16xi32>,
      %swap3A_942 = vector.shape_cast %swap3A_941 : vector<1x16xi32> to vector<16xi32>
      %swap3A_943 = vector.shape_cast %convert_element_type3A : vector<16xi32> to vector<1x16xi32>
      tpu.vector_store %arg7[%swap3A_939, %swap3A_940], %swap3A_943 {strides = array<i32>} : memref<2x1024xi32, #tpu.memory_space<vmem>>, vector<1x16xi32>,
      %convert_element_type3A_944 = arith.fptosi %get3A_21 : vector<16xf32> to vector<16xi32>
      %swap3A_945 = arith.constant 1 : i32
      %swap3A_946 = arith.index_cast %swap3A_945 : i32 to index
      %swap3A_947 = arith.index_cast %mul3A_12 : i32 to index
      %swap3A_948 = tpu.vector_load %arg7[%swap3A_946, %swap3A_947] {strides = array<i32>} : memref<2x1024xi32, #tpu.memory_space<vmem>>, vector<1x16xi32>,
      %swap3A_949 = vector.shape_cast %swap3A_948 : vector<1x16xi32> to vector<16xi32>
      %swap3A_950 = vector.shape_cast %convert_element_type3A_944 : vector<16xi32> to vector<1x16xi32>
      tpu.vector_store %arg7[%swap3A_946, %swap3A_947], %swap3A_950 {strides = array<i32>} : memref<2x1024xi32, #tpu.memory_space<vmem>>, vector<1x16xi32>,
      %scan3A_951 = arith.constant 0 : i32
      scf.yield %scan3A_951 : i32
    }
    %scan3A_8 = arith.constant 64 : i32
    "tpu.region"() ({
      %run_scoped3A = tpu.sem_alloc : memref<!tpu.dma_semaphore, #tpu.memory_space<semaphore_mem>>
      %dma_start3A = arith.constant 0 : i32
      %dma_start3A_9 = tpu.memref_slice %arg3[%dma_start3A, %mul3A_2] : memref<64x32768xf32, #tpu.memory_space<hbm>> -> memref<64x1024xf32, #tpu.memory_space<hbm>>
      %dma_start3A_10 = arith.constant 0 : i32
      %dma_start3A_11 = tpu.memref_slice %arg3[%dma_start3A_10, %mul3A_2] : memref<64x32768xf32, #tpu.memory_space<hbm>> -> memref<64x1024xf32, #tpu.memory_space<hbm>>
      tpu.enqueue_dma source(%arg6 : memref<64x1024xf32, #tpu.memory_space<vmem>>) target(%dma_start3A_11 : memref<64x1024xf32, #tpu.memory_space<hbm>>) target_semaphore(%run_scoped3A : memref<!tpu.dma_semaphore, #tpu.memory_space<semaphore_mem>>)
      %dma_wait3A = arith.constant 0 : i32
      %dma_wait3A_12 = tpu.memref_slice %arg3[%dma_wait3A, %mul3A_2] : memref<64x32768xf32, #tpu.memory_space<hbm>> -> memref<64x1024xf32, #tpu.memory_space<hbm>>
      %dma_wait3A_13 = arith.constant 0 : i32
      %dma_wait3A_14 = tpu.memref_slice %arg3[%dma_wait3A_13, %mul3A_2] : memref<64x32768xf32, #tpu.memory_space<hbm>> -> memref<64x1024xf32, #tpu.memory_space<hbm>>
      tpu.wait_dma2 semaphore(%run_scoped3A : memref<!tpu.dma_semaphore, #tpu.memory_space<semaphore_mem>>) src(%arg6 : memref<64x1024xf32, #tpu.memory_space<vmem>>) dst(%dma_wait3A_14 : memref<64x1024xf32, #tpu.memory_space<hbm>>)
      tpu.yield
    }) : () -> ()
    "tpu.region"() ({
      %run_scoped3A = tpu.sem_alloc : memref<!tpu.dma_semaphore, #tpu.memory_space<semaphore_mem>>
      %dma_start3A = arith.constant 0 : i32
      %dma_start3A_9 = tpu.memref_slice %arg4[%dma_start3A, %mul3A_2] : memref<2x32768xi32, #tpu.memory_space<hbm>> -> memref<2x1024xi32, #tpu.memory_space<hbm>>
      %dma_start3A_10 = arith.constant 0 : i32
      %dma_start3A_11 = tpu.memref_slice %arg4[%dma_start3A_10, %mul3A_2] : memref<2x32768xi32, #tpu.memory_space<hbm>> -> memref<2x1024xi32, #tpu.memory_space<hbm>>
      tpu.enqueue_dma source(%arg7 : memref<2x1024xi32, #tpu.memory_space<vmem>>) target(%dma_start3A_11 : memref<2x1024xi32, #tpu.memory_space<hbm>>) target_semaphore(%run_scoped3A : memref<!tpu.dma_semaphore, #tpu.memory_space<semaphore_mem>>)
      %dma_wait3A = arith.constant 0 : i32
      %dma_wait3A_12 = tpu.memref_slice %arg4[%dma_wait3A, %mul3A_2] : memref<2x32768xi32, #tpu.memory_space<hbm>> -> memref<2x1024xi32, #tpu.memory_space<hbm>>
      %dma_wait3A_13 = arith.constant 0 : i32
      %dma_wait3A_14 = tpu.memref_slice %arg4[%dma_wait3A_13, %mul3A_2] : memref<2x32768xi32, #tpu.memory_space<hbm>> -> memref<2x1024xi32, #tpu.memory_space<hbm>>
      tpu.wait_dma2 semaphore(%run_scoped3A : memref<!tpu.dma_semaphore, #tpu.memory_space<semaphore_mem>>) src(%arg7 : memref<2x1024xi32, #tpu.memory_space<vmem>>) dst(%dma_wait3A_14 : memref<2x1024xi32, #tpu.memory_space<hbm>>)
      tpu.yield
    }) : () -> ()
    return
  }
}

module attributes {stable_mosaic.version = 14 : i64} {
  func.func @_router_body(%arg0: i32, %arg1: memref<1024x768xf32, #tpu.memory_space<vmem>>, %arg2: memref<768x128xf32, #tpu.memory_space<vmem>>, %arg3: memref<1x128xf32, #tpu.memory_space<vmem>>, %arg4: memref<128x64xf32, #tpu.memory_space<vmem>>, %arg5: memref<1x64xf32, #tpu.memory_space<vmem>>, %arg6: memref<256x256xf32, #tpu.memory_space<vmem>>, %arg7: memref<8x1024xf32, #tpu.memory_space<vmem>>) attributes {dimension_semantics = [#tpu.dimension_semantics<parallel>], iteration_bounds = array<i64: 32>, scalar_prefetch = 0 : i64, scratch_operands = 0 : i64, tpu.core_type = #tpu.core_type<tc>, window_params = [{transform_indices = @transform_0, window_bounds = array<i64: 1024, 768>}, {pipeline_mode = #tpu.pipeline_mode<synchronous>, transform_indices = @transform_1, window_bounds = array<i64: 768, 128>}, {pipeline_mode = #tpu.pipeline_mode<synchronous>, transform_indices = @transform_2, window_bounds = array<i64: 1, 128>}, {pipeline_mode = #tpu.pipeline_mode<synchronous>, transform_indices = @transform_3, window_bounds = array<i64: 128, 64>}, {pipeline_mode = #tpu.pipeline_mode<synchronous>, transform_indices = @transform_4, window_bounds = array<i64: 1, 64>}, {pipeline_mode = #tpu.pipeline_mode<synchronous>, transform_indices = @transform_5, window_bounds = array<i64: 256, 256>}, {transform_indices = @transform_6, window_bounds = array<i64: 8, 1024>}]} {
    %get3A = arith.constant 0 : index
    %get3A_0 = arith.constant 0 : index
    %get3A_1 = vector.load %arg1[%get3A, %get3A_0] : memref<1024x768xf32, #tpu.memory_space<vmem>>, vector<1024x768xf32>
    %get3A_2 = arith.constant 0 : index
    %get3A_3 = arith.constant 0 : index
    %get3A_4 = vector.load %arg2[%get3A_2, %get3A_3] : memref<768x128xf32, #tpu.memory_space<vmem>>, vector<768x128xf32>
    %dot_general3A = arith.constant dense<0.000000e+00> : vector<1024x128xf32>
    %dot_general3A_5 = tpu.matmul %get3A_1, %get3A_4, %dot_general3A {dimension_numbers = #tpu.dot_dimension_numbers<[1], [0], [0], [1], [0, 0, 1, 1], [], []>, transpose_lhs_hint = false} : vector<1024x768xf32>, vector<768x128xf32>, vector<1024x128xf32> -> vector<1024x128xf32>
    %get3A_6 = arith.constant 0 : index
    %get3A_7 = arith.constant 0 : index
    %get3A_8 = vector.load %arg3[%get3A_6, %get3A_7] : memref<1x128xf32, #tpu.memory_space<vmem>>, vector<1x128xf32>
    %add3A = vector.broadcast %get3A_8 : vector<1x128xf32> to vector<1024x128xf32>
    %add3A_9 = arith.addf %dot_general3A_5, %add3A : vector<1024x128xf32>
    %max3A = arith.constant 0.000000e+00 : f32
    %max3A_10 = vector.broadcast %max3A : f32 to vector<1024x128xf32>
    %max3A_11 = arith.maximumf %add3A_9, %max3A_10 : vector<1024x128xf32>
    %get3A_12 = arith.constant 0 : index
    %get3A_13 = arith.constant 0 : index
    %get3A_14 = vector.load %arg4[%get3A_12, %get3A_13] : memref<128x64xf32, #tpu.memory_space<vmem>>, vector<128x64xf32>
    %dot_general3A_15 = arith.constant dense<0.000000e+00> : vector<1024x64xf32>
    %dot_general3A_16 = tpu.matmul %max3A_11, %get3A_14, %dot_general3A_15 {dimension_numbers = #tpu.dot_dimension_numbers<[1], [0], [0], [1], [0, 0, 1, 1], [], []>, transpose_lhs_hint = false} : vector<1024x128xf32>, vector<128x64xf32>, vector<1024x64xf32> -> vector<1024x64xf32>
    %get3A_17 = arith.constant 0 : index
    %get3A_18 = arith.constant 0 : index
    %get3A_19 = vector.load %arg5[%get3A_17, %get3A_18] : memref<1x64xf32, #tpu.memory_space<vmem>>, vector<1x64xf32>
    %add3A_20 = vector.broadcast %get3A_19 : vector<1x64xf32> to vector<1024x64xf32>
    %add3A_21 = arith.addf %dot_general3A_16, %add3A_20 : vector<1024x64xf32>
    %iota3A = tpu.iota {dimensions = array<i32: 1>} : vector<1024x64xi32>
    %convert_element_type3A = arith.sitofp %iota3A : vector<1024x64xi32> to vector<1024x64xf32>
    %reduce_max3A = arith.constant dense<0xFF800000> : vector<1024xf32>
    %reduce_max3A_22 = vector.multi_reduction <maximumf>, %add3A_21, %reduce_max3A [1] : vector<1024x64xf32> to vector<1024xf32>
    %broadcast_in_dim3A = vector.shape_cast %reduce_max3A_22 : vector<1024xf32> to vector<1024x1xf32>
    %eq3A = vector.broadcast %broadcast_in_dim3A : vector<1024x1xf32> to vector<1024x64xf32>
    %eq3A_23 = arith.cmpf oeq, %add3A_21, %eq3A : vector<1024x64xf32>
    %jit3A = arith.constant 6.400000e+01 : f32
    %broadcast_in_dim3A_24 = vector.broadcast %jit3A : f32 to vector<1024x64xf32>
    %select_n3A = arith.select %eq3A_23, %convert_element_type3A, %broadcast_in_dim3A_24 : vector<1024x64xi1>, vector<1024x64xf32>
    %reduce_min3A = arith.constant dense<0x7F800000> : vector<1024xf32>
    %reduce_min3A_25 = vector.multi_reduction <minimumf>, %select_n3A, %reduce_min3A [1] : vector<1024x64xf32> to vector<1024xf32>
    %broadcast_in_dim3A_26 = vector.shape_cast %reduce_min3A_25 : vector<1024xf32> to vector<1024x1xf32>
    %eq3A_27 = vector.broadcast %broadcast_in_dim3A_26 : vector<1024x1xf32> to vector<1024x64xf32>
    %eq3A_28 = arith.cmpf oeq, %convert_element_type3A, %eq3A_27 : vector<1024x64xf32>
    %jit3A_29 = arith.constant 0xFF800000 : f32
    %broadcast_in_dim3A_30 = vector.broadcast %jit3A_29 : f32 to vector<1024x64xf32>
    %select_n3A_31 = arith.select %eq3A_28, %broadcast_in_dim3A_30, %add3A_21 : vector<1024x64xi1>, vector<1024x64xf32>
    %reduce_max3A_32 = arith.constant dense<0xFF800000> : vector<1024xf32>
    %reduce_max3A_33 = vector.multi_reduction <maximumf>, %select_n3A_31, %reduce_max3A_32 [1] : vector<1024x64xf32> to vector<1024xf32>
    %broadcast_in_dim3A_34 = vector.shape_cast %reduce_max3A_33 : vector<1024xf32> to vector<1024x1xf32>
    %eq3A_35 = vector.broadcast %broadcast_in_dim3A_34 : vector<1024x1xf32> to vector<1024x64xf32>
    %eq3A_36 = arith.cmpf oeq, %select_n3A_31, %eq3A_35 : vector<1024x64xf32>
    %jit3A_37 = arith.constant 6.400000e+01 : f32
    %broadcast_in_dim3A_38 = vector.broadcast %jit3A_37 : f32 to vector<1024x64xf32>
    %select_n3A_39 = arith.select %eq3A_36, %convert_element_type3A, %broadcast_in_dim3A_38 : vector<1024x64xi1>, vector<1024x64xf32>
    %reduce_min3A_40 = arith.constant dense<0x7F800000> : vector<1024xf32>
    %reduce_min3A_41 = vector.multi_reduction <minimumf>, %select_n3A_39, %reduce_min3A_40 [1] : vector<1024x64xf32> to vector<1024xf32>
    %broadcast_in_dim3A_42 = vector.shape_cast %reduce_min3A_41 : vector<1024xf32> to vector<1024x1xf32>
    %sub3A = arith.subf %broadcast_in_dim3A_34, %broadcast_in_dim3A : vector<1024x1xf32>
    %exp3A = math.exp %sub3A : vector<1024x1xf32>
    %add3A_43 = arith.constant 1.000000e+00 : f32
    %add3A_44 = vector.broadcast %add3A_43 : f32 to vector<1024x1xf32>
    %add3A_45 = arith.addf %add3A_44, %exp3A : vector<1024x1xf32>
    %div3A = arith.divf %exp3A, %add3A_45 : vector<1024x1xf32>
    %sub3A_46 = arith.constant 1.000000e+00 : f32
    %sub3A_47 = vector.broadcast %sub3A_46 : f32 to vector<1024x1xf32>
    %sub3A_48 = arith.subf %sub3A_47, %div3A : vector<1024x1xf32>
    %convert_element_type3A_49 = arith.truncf %sub3A_48 : vector<1024x1xf32> to vector<1024x1xbf16>
    %convert_element_type3A_50 = arith.extf %convert_element_type3A_49 : vector<1024x1xbf16> to vector<1024x1xf32>
    %sub3A_51 = arith.subf %sub3A_48, %convert_element_type3A_50 : vector<1024x1xf32>
    %convert_element_type3A_52 = arith.truncf %sub3A_51 : vector<1024x1xf32> to vector<1024x1xbf16>
    %convert_element_type3A_53 = arith.extf %convert_element_type3A_52 : vector<1024x1xbf16> to vector<1024x1xf32>
    %convert_element_type3A_54 = arith.truncf %div3A : vector<1024x1xf32> to vector<1024x1xbf16>
    %convert_element_type3A_55 = arith.extf %convert_element_type3A_54 : vector<1024x1xbf16> to vector<1024x1xf32>
    %sub3A_56 = arith.subf %div3A, %convert_element_type3A_55 : vector<1024x1xf32>
    %convert_element_type3A_57 = arith.truncf %sub3A_56 : vector<1024x1xf32> to vector<1024x1xbf16>
    %convert_element_type3A_58 = arith.extf %convert_element_type3A_57 : vector<1024x1xbf16> to vector<1024x1xf32>
    %broadcast_in_dim3A_59 = arith.constant 0.000000e+00 : f32
    %broadcast_in_dim3A_60 = vector.broadcast %broadcast_in_dim3A_59 : f32 to vector<1024x1xf32>
    %concatenate3A = tpu.concatenate %broadcast_in_dim3A_26, %broadcast_in_dim3A_42, %convert_element_type3A_50, %convert_element_type3A_53, %convert_element_type3A_55, %convert_element_type3A_58, %broadcast_in_dim3A_60, %broadcast_in_dim3A_60 in 1 : vector<1024x1xf32>, vector<1024x1xf32>, vector<1024x1xf32>, vector<1024x1xf32>, vector<1024x1xf32>, vector<1024x1xf32>, vector<1024x1xf32>, vector<1024x1xf32> -> vector<1024x8xf32>
    %get3A_61 = arith.constant 0 : index
    %get3A_62 = arith.constant 0 : index
    %get3A_63 = vector.load %arg6[%get3A_61, %get3A_62] : memref<256x256xf32, #tpu.memory_space<vmem>>, vector<256x256xf32>
    %slice3A = vector.extract_strided_slice %concatenate3A {offsets = [0, 0], sizes = [256, 8], strides = [1, 1]} : vector<1024x8xf32> to vector<256x8xf32>
    %dot_general3A_64 = arith.constant dense<0.000000e+00> : vector<8x256xf32>
    %dot_general3A_65 = tpu.matmul %slice3A, %get3A_63, %dot_general3A_64 {dimension_numbers = #tpu.dot_dimension_numbers<[0], [0], [1], [1], [0, 1, 1, 1], [], []>, transpose_lhs_hint = false} : vector<256x8xf32>, vector<256x256xf32>, vector<8x256xf32> -> vector<8x256xf32>
    %slice3A_66 = vector.extract_strided_slice %concatenate3A {offsets = [256, 0], sizes = [256, 8], strides = [1, 1]} : vector<1024x8xf32> to vector<256x8xf32>
    %dot_general3A_67 = arith.constant dense<0.000000e+00> : vector<8x256xf32>
    %dot_general3A_68 = tpu.matmul %slice3A_66, %get3A_63, %dot_general3A_67 {dimension_numbers = #tpu.dot_dimension_numbers<[0], [0], [1], [1], [0, 1, 1, 1], [], []>, transpose_lhs_hint = false} : vector<256x8xf32>, vector<256x256xf32>, vector<8x256xf32> -> vector<8x256xf32>
    %slice3A_69 = vector.extract_strided_slice %concatenate3A {offsets = [512, 0], sizes = [256, 8], strides = [1, 1]} : vector<1024x8xf32> to vector<256x8xf32>
    %dot_general3A_70 = arith.constant dense<0.000000e+00> : vector<8x256xf32>
    %dot_general3A_71 = tpu.matmul %slice3A_69, %get3A_63, %dot_general3A_70 {dimension_numbers = #tpu.dot_dimension_numbers<[0], [0], [1], [1], [0, 1, 1, 1], [], []>, transpose_lhs_hint = false} : vector<256x8xf32>, vector<256x256xf32>, vector<8x256xf32> -> vector<8x256xf32>
    %slice3A_72 = vector.extract_strided_slice %concatenate3A {offsets = [768, 0], sizes = [256, 8], strides = [1, 1]} : vector<1024x8xf32> to vector<256x8xf32>
    %dot_general3A_73 = arith.constant dense<0.000000e+00> : vector<8x256xf32>
    %dot_general3A_74 = tpu.matmul %slice3A_72, %get3A_63, %dot_general3A_73 {dimension_numbers = #tpu.dot_dimension_numbers<[0], [0], [1], [1], [0, 1, 1, 1], [], []>, transpose_lhs_hint = false} : vector<256x8xf32>, vector<256x256xf32>, vector<8x256xf32> -> vector<8x256xf32>
    %concatenate3A_75 = tpu.concatenate %dot_general3A_65, %dot_general3A_68, %dot_general3A_71, %dot_general3A_74 in 1 : vector<8x256xf32>, vector<8x256xf32>, vector<8x256xf32>, vector<8x256xf32> -> vector<8x1024xf32>
    %swap3A = arith.constant 0 : index
    %swap3A_76 = arith.constant 0 : index
    %swap3A_77 = vector.load %arg7[%swap3A, %swap3A_76] : memref<8x1024xf32, #tpu.memory_space<vmem>>, vector<8x1024xf32>
    tpu.vector_store %arg7[%swap3A, %swap3A_76], %concatenate3A_75 {strides = array<i32>} : memref<8x1024xf32, #tpu.memory_space<vmem>>, vector<8x1024xf32>,
    return
  }
  func.func @transform_0(%arg0: i32) -> (i32, i32) {
    %c0_i32 = arith.constant 0 : i32
    %c0_i32_0 = arith.constant 0 : i32
    return %arg0, %c0_i32 : i32, i32
  }
  func.func @transform_1(%arg0: i32) -> (i32, i32) {
    %c0_i32 = arith.constant 0 : i32
    %c0_i32_0 = arith.constant 0 : i32
    %c0_i32_1 = arith.constant 0 : i32
    return %c0_i32, %c0_i32_0 : i32, i32
  }
  func.func @transform_2(%arg0: i32) -> (i32, i32) {
    %c0_i32 = arith.constant 0 : i32
    %c0_i32_0 = arith.constant 0 : i32
    %c0_i32_1 = arith.constant 0 : i32
    return %c0_i32, %c0_i32_0 : i32, i32
  }
  func.func @transform_3(%arg0: i32) -> (i32, i32) {
    %c0_i32 = arith.constant 0 : i32
    %c0_i32_0 = arith.constant 0 : i32
    %c0_i32_1 = arith.constant 0 : i32
    return %c0_i32, %c0_i32_0 : i32, i32
  }
  func.func @transform_4(%arg0: i32) -> (i32, i32) {
    %c0_i32 = arith.constant 0 : i32
    %c0_i32_0 = arith.constant 0 : i32
    %c0_i32_1 = arith.constant 0 : i32
    return %c0_i32, %c0_i32_0 : i32, i32
  }
  func.func @transform_5(%arg0: i32) -> (i32, i32) {
    %c0_i32 = arith.constant 0 : i32
    %c0_i32_0 = arith.constant 0 : i32
    %c0_i32_1 = arith.constant 0 : i32
    return %c0_i32, %c0_i32_0 : i32, i32
  }
  func.func @transform_6(%arg0: i32) -> (i32, i32) {
    %c0_i32 = arith.constant 0 : i32
    %c0_i32_0 = arith.constant 0 : i32
    return %c0_i32, %arg0 : i32, i32
  }
}

</mosaic_0001>

<sc_bundles>
// kernel: kernel.4.cloned.1.call-start
scs
__scs_entry_jumppad:
0x0: {  	(pc) =	sbr.rel $0x88, $3  }
0x1: {  	(tag) =	ssettag $0x0;
	lr =	simm.s32 $0x1  }
0x2: {  	[smem:$0x3F9C] =	sst lr;
	_ =	strace $0xD0000000  }
0x3: {  	_ = 	snop  }
0x4: {  	_ = 	snop  }
0x5: {  	_ = 	snop  }
0x6: {  	_ = 	snop  }
0x7: {  	_ = 	snop  }
__scs_overlays_trampoline_lowered:
0x8: {  	[smem:$0x3FAB] =	sst s0  }
0x9: {  	[smem:$0x3FAC] =	sst s1  }
0xa: {  	[smem:$0x3FAD] =	sst s2  }
0xb: {  	[smem:$0x3FAE] =	sst s3  }
0xc: {  	[smem:$0x3FAF] =	sst s4  }
0xd: {  	[smem:$0x3FB0] =	sst s5  }
0xe: {  	[smem:$0x3FB1] =	sst s6  }
0xf: {  	[smem:$0x3FB2] =	sst s7  }
0x10: {  	[smem:$0x3FB3] =	sst s8  }
0x11: {  	[smem:$0x3FB4] =	sst s9;
	s0 =	simm.s32 @!p0 $0x0  }
0x12: {  	s1 =	sld [smem:$0x3F9A];
	s0 =	simm.s32 @p0 $0x1  }
0x13: {  	[smem:$0x3FB5] =	sst s0;
	s0 =	simm.s32 @!p1 $0x0  }
0x14: {  	s2 =	sld [smem:$0x3F99];
	s0 =	simm.s32 @p1 $0x1  }
0x15: {  	[smem:$0x3FB6] =	sst s0;
	s0 =	simm.s32 @!p2 $0x0  }
0x16: {  	s3 =	sld [smem:$0x3FDB];
	s0 =	simm.s32 @p2 $0x1  }
0x17: {  	s4 =	simm.s32 $0x1BF5;
	[smem:$0x3FB8] =	sst s0  }
0x18: {  	s0 =	sld [smem:$0x3F9B];
	_ =	swait.ge [sflag:s4], $0x0  }
0x19: {  	s7 =	sld [smem:$0x3F9C]  }
0x1a: {  	s8 =	sadd.s32 $0xFFFFE003, lr  }
0x1b: {  	s9 =	sadd.s32 $0xFFFFFEF7, lr;
	s5 =	simm.s32 $0xFFFFFFFF;
	p2 =	slt.u32 s8, $0xFFFFF086  }
0x1c: {  	p1 =	slt.u32 s9, $0xF7A;
	s5 =	simm.s32 @!p2 $0x0  }
0x1d: {  	s5 =	simm.s32 @p1 $0x1;
	p0 =	seq.s32 s7, s2  }
0x1e: {  	s7 =	smul.u32 @!p0 $0xF7A, s2;
	p2 =	seq.s32 @!p0 s5, $0x0  }
0x1f: {  	s9 =	smul.u32 $0xF7A, s1;
	s8 =	simm.s32 @!p0 $0x1BF5;
	p2 =	por !p2, p0  }
0x20: {  	[sflag:s8] =	ssyncset.s32 @!p0 $0xFFFFF086;
	s6 =	sadd.s32 @!p0 s3, s7;
	s7 =	simm.s32 @!p0 $0x108  }
0x21: {  	s3 =	sadd.s32 s3, s9;
	s6 =	sadd.s32 @!p0 $0x88, s6;
	s7 =	simm.s32 @p2 $0x1082  }
0x22: {  	[simem:s7], [sflag:s8] =	dma.local @!p0 [hbm:s6], $0xF7A  }
0x23: {  	s9 =	sor.u32 $0xD0000000, s2;
	s6 =	simm.s32 $0x108;
	_ =	swait.ge @!p0 [sflag:s8], $0x0  }
0x24: {  	s3 =	sadd.s32 $0x88, s3;
	s6 =	simm.s32 @!p1 $0x1082;
	[sflag:s4] =	ssyncset.s32 $0xFFFFF086  }
0x25: {  	[simem:s6], [sflag:s4] =	dma.local [hbm:s3], $0xF7A  }
0x26: {  	[smem:$0x3F9C] =	sst s1;
	(tag) =	ssettag s2;
	_ =	strace s9  }
0x27: {  	s1 =	sld [smem:$0x3FAC]  }
0x28: {  	s2 =	sld [smem:$0x3FAD]  }
0x29: {  	s4 =	sld [smem:$0x3FAF]  }
0x2a: {  	p0 =	seq.s32 s5, $0x0;
	s5 =	sld [smem:$0x3FB0]  }
0x2b: {  	s6 =	sld [smem:$0x3FB1]  }
0x2c: {  	s7 =	sld [smem:$0x3FB2]  }
0x2d: {  	s3 =	simm.s32 $0x108;
	s8 =	sld [smem:$0x3FB3]  }
0x2e: {  	s3 =	simm.s32 @!p0 $0x1082;
	s9 =	sld [smem:$0x3FB4]  }
0x2f: {  	lr =	sadd.s32 s0, s3;
	s0 =	sld [smem:$0x3FAB]  }
0x30: {  	s3 =	sld [smem:$0x3FAE]  }
0x31: {  	[smem:$0x3FB7] =	sst s10  }
0x32: {  	s10 =	sld [smem:$0x3FB5];
	_ =	sdelay $0x3  }
0x33: {  	p0 =	seq.s32 s10, $0x1;
	s10 =	sld [smem:$0x3FB7];
	_ =	sdelay $0x3  }
0x34: {  	[smem:$0x3FB7] =	sst s10  }
0x35: {  	s10 =	sld [smem:$0x3FB6];
	_ =	sdelay $0x3  }
0x36: {  	p1 =	seq.s32 s10, $0x1;
	s10 =	sld [smem:$0x3FB7];
	_ =	sdelay $0x3  }
0x37: {  	[smem:$0x3FB7] =	sst s10  }
0x38: {  	s10 =	sld [smem:$0x3FB8]  }
0x39: {  	_ = 	snop;
	(pc) =	sbr.ind lr, $3  }
0x3a: {  	_ = 	snop  }
0x3b: {  	_ = 	snop  }
0x3c: {  	p2 =	seq.s32 s10, $0x1;
	s10 =	sld [smem:$0x3FB7]  }
0x3d: {  	_ =	shalt  }
0x3e: {  	_ =	shalt  }
0x3f: {  	_ =	shalt  }
0x40: {  	_ =	shalt  }
0x41: {  	_ =	shalt  }
0x42: {  	_ =	shalt  }
0x43: {  	_ =	shalt  }
0x44: {  	_ =	shalt  }
0x45: {  	_ =	shalt  }
0x46: {  	_ =	shalt  }
0x47: {  	_ =	shalt  }
0x48: {  	_ =	shalt  }
0x49: {  	_ =	shalt  }
0x4a: {  	_ =	shalt  }
0x4b: {  	_ =	shalt  }
0x4c: {  	_ =	shalt  }
0x4d: {  	_ =	shalt  }
0x4e: {  	_ =	shalt  }
0x4f: {  	_ =	shalt  }
0x50: {  	_ =	shalt  }
0x51: {  	_ =	shalt  }
0x52: {  	_ =	shalt  }
0x53: {  	_ =	shalt  }
0x54: {  	_ =	shalt  }
0x55: {  	_ =	shalt  }
0x56: {  	_ =	shalt  }
0x57: {  	_ =	shalt  }
0x58: {  	_ =	shalt  }
0x59: {  	_ =	shalt  }
0x5a: {  	_ =	shalt  }
0x5b: {  	_ =	shalt  }
0x5c: {  	_ =	shalt  }
0x5d: {  	_ =	shalt  }
0x5e: {  	_ =	shalt  }
0x5f: {  	_ =	shalt  }
0x60: {  	_ =	shalt  }
0x61: {  	_ =	shalt  }
0x62: {  	_ =	shalt  }
0x63: {  	_ =	shalt  }
0x64: {  	_ =	shalt  }
0x65: {  	_ =	shalt  }
0x66: {  	_ =	shalt  }
0x67: {  	_ =	shalt  }
0x68: {  	_ =	shalt  }
0x69: {  	_ =	shalt  }
0x6a: {  	_ =	shalt  }
0x6b: {  	_ =	shalt  }
0x6c: {  	_ =	shalt  }
0x6d: {  	_ =	shalt  }
0x6e: {  	_ =	shalt  }
0x6f: {  	_ =	shalt  }
0x70: {  	_ =	shalt  }
0x71: {  	_ =	shalt  }
0x72: {  	_ =	shalt  }
0x73: {  	_ =	shalt  }
0x74: {  	_ =	shalt  }
0x75: {  	_ =	shalt  }
0x76: {  	_ =	shalt  }
0x77: {  	_ =	shalt  }
0x78: {  	_ =	shalt  }
0x79: {  	_ =	shalt  }
0x7a: {  	_ =	shalt  }
0x7b: {  	_ =	shalt  }
0x7c: {  	_ =	shalt  }
0x7d: {  	_ =	shalt  }
0x7e: {  	_ =	shalt  }
0x7f: {  	_ =	shalt  }
0x80: {  	_ =	shalt  }
0x81: {  	_ =	shalt  }
0x82: {  	_ =	shalt  }
0x83: {  	_ =	shalt  }
0x84: {  	_ =	shalt  }
0x85: {  	_ =	shalt  }
0x86: {  	_ =	shalt  }
0x87: {  	_ =	shalt  }
.Lfunc_end0:
.L_simem_size_0:
called_computation_lowered:
.L_overlay_start_0:
0x88: {  	s2 =	sld [smem:$0x3FD9]  }
0x89: {  	s3 =	sld [smem:$0x3FFE];
	_ =	sdelay $0x1  }
0x8a: {  	s1 =	srdreg.scid  }
0x8b: {  	s0 =	sand.u32 $0x1, s1  }
0x8c: {  	s14 =	sshll.u32 s0, $0xA;
	s2 =	sadd.s32 s3, s2  }
0x8d: {  	s2 =	sadd.s32 s2, s14  }
0x8e: {  	[smem:$0x3FC3] =	sst s2  }
0x8f: {  	_ = 	snop  }
0x90: {  	s2 =	sld [smem:$0x3FD0];
	_ =	sdelay $0x2  }
0x91: {  	s15 =	simm.s32 $0xA;
	s4 =	simm.s32 $0x10  }
0x92: {  	[smem:s4], [sflag:s15] =	dma.local [hbm:s2], $0x1  }
0x93: {  	_ =	swait.eq [sflag:s15], $0x1  }
0x94: {  	[sflag:s15] =	ssyncset.done $0x0  }
0x95: {  	s16 =	sld [smem:$0x10];
	[sflag:s15] =	ssyncadd.s32 $0xFFFFFFFF  }
0x96: {  	s17 =	sld [smem:$0x11];
	(tm) =	ssettm $0x1  }
0x97: {  	s18 =	sld [smem:$0x3FFB];
	_ =	sdelay $0x3  }
0x98: {  	_ =	strace s18  }
0x99: {  	s4 =	sld [smem:$0x3FFC];
	_ =	sdelay $0x3  }
0x9a: {  	_ =	strace s4  }
0x9b: {  	s4 =	sld [smem:$0x3FFD];
	_ =	sdelay $0x3  }
0x9c: {  	_ =	strace s4  }
0x9d: {  	_ =	strace $0x8FFFFFFF  }
0x9e: {  	s19 =	sld [smem:$0x3FDB];
	_ =	sdelay $0x1  }
0x9f: {  	s5 =	simm.s32 $_scs_section_size  }
0xa0: {  	s6 =	simm.s32 $_size__tile_overlayer_lowered;
	s7 =	simm.s32 $_tile_overlayer_lowered  }
0xa1: {  	s22 =	simm.s32 $0x1BFF;
	s21 =	sshll.u32 s7, $0x1;
	s4 =	sadd.s32 s5, s19  }
0xa2: {  	s8 =	simm.s32 $0x0;
	s20 =	sshll.u32 s6, $0x1;
	s6 =	sadd.s32 s21, s4  }
0xa3: {  	[timem:s8], [sflag:s22] =	dma.local [hbm:s6], s20  }
0xa4: {  	_ =	swait.ge [sflag:s22], s20  }
0xa5: {  	s5 =	ssub.s32 $0x0, s20;
	[sflag:s22] =	ssyncset.done $0x0  }
0xa6: {  	[sflag:s22] =	ssyncadd.s32 s5;
	_ =	sdelay $0x1  }
0xa7: {  	s23 =	simm.s32 $0x1B8B  }
0xa8: {  	_ =	swait.ge [sflag:s23], $0x1  }
0xa9: {  	[sflag:s23] =	ssyncset.done $0x0  }
0xaa: {  	s25 =	simm.s32 $0x1B8E;
	s24 =	sld [smem:$0x3FFE];
	[sflag:s23] =	ssyncadd.s32 $0xFFFFFFFF  }
0xab: {  	s26 =	simm.s32 $execute0_lowered;
	[smem:$0x3FD2] =	sst s25  }
0xac: {  	s6 =	sshll.u32 s26, $0x1;
	_ =	strace $0x80000046;
	[dreg:$0x1] =	wrdreg $0xFFFFFFFF  }
0xad: {  	s28 =	simm.s32 $_size_execute0_lowered;
	s4 =	sadd.s32 s4, s6;
	[dreg:$0x0] =	wrdreg $0x0  }
0xae: {  	s6 =	sshll.u32 s28, $0x1;
	[dreg:$0x2] =	wrdreg s4  }
0xaf: {  	[dreg:$0x3] =	wrdreg s6  }
0xb0: {  	[dreg:$0x4] =	wrdreg $0xC0  }
0xb1: {  	_ =	task [dreg:s8], $0x5FFFF  }
0xb2: {  	[dreg:$0x1] =	wrdreg $0xFFFFFFFF  }
0xb3: {  	[dreg:$0x0] =	wrdreg $0x60  }
0xb4: {  	[dreg:$0x2] =	wrdreg s24  }
0xb5: {  	[dreg:$0x3] =	wrdreg s16  }
0xb6: {  	[dreg:$0x4] =	wrdreg s17  }
0xb7: {  	[dreg:$0x5] =	wrdreg $0x9  }
0xb8: {  	_ =	task.clear_ibuf [dreg:s8], $0x6FFFF;
	_ =	strace $0x90000046  }
0xb9: {  	s29 =	simm.s32 $0x9;
	_ =	strace $0x80000048  }
0xba: {  	_ =	swait.ge [sflag:s29], $0x1  }
0xbb: {  	[sflag:s29] =	ssyncadd.s32 $0xFFFFFFFF  }
0xbc: {  	_ =	strace $0x90000048  }
0xbd: {  	_ =	sfence  }
0xbe: {  	s30 =	sld [smem:$0x0];
	_ =	sdelay $0x2  }
0xbf: {  	s31 =	sshll.u32 s1, $0xD;
	s1 =	sshrl.u32 s1, $0x2  }
0xc0: {  	s3 =	sand.u32 $0x4000, s31;
	s1 =	sadd.s32 s1, s30  }
0xc1: {  	s0 =	sor.u32 s3, s0;
	s1 =	sshll.u32 s1, $0x11  }
0xc2: {  	s0 =	sor.u32 s1, s0  }
0xc3: {  	s0 =	sadd.s32 $0x8F2B, s0  }
0xc4: {  	[sflag:s0] =	ssyncadd.remote.s32 $0x1  }
0xc5: {  	_ =	sfence.sel $0xFFFF  }
0xc6: {  	[dreg:$0x0] =	wrdreg $0xFFFFFFFF;
	(pc) =	sbr.abs _section_cstart, $3  }
0xc7: {  	[dreg:$0x1] =	wrdreg $0xFFFFFFFF  }
0xc8: {  	_ =	task.clear_ibuf [dreg:s8], $0x2FFFF;
	_ =	strace $0x9FFFFFFF  }
0xc9: {  	(tm) =	ssettm $0x7FFFFFFF  }
tec
execute0_lowered:
.L_overlay_start_1:
0x0: {  	(tag) =	ssettag $0x1  }
0x1: {  	s3 =	rddreg [dreg:$0x0]  }
0x2: {  	s4 =	rddreg [dreg:$0x1]  }
0x3: {  	s5 =	rddreg [dreg:$0x2]  }
0x4: {  	s0 =	rddreg [dreg:$0x3];
	s2 =	simm.s32 $0x0;
	s6 =	srdreg.scid  }
0x5: {  	s1 =	stileid.u32;
	s9 =	simm.s32 $0x2000;
	s10 =	simm.s32 $0x12000  }
0x6: {  	s11 =	simm.s32 $0x0;
	[smem:$0x7FF] =	sst s2;
	s6 =	sand.u32 $0x1, s6  }
0x7: {  	s7 =	sshll.u32 s1, $0xB;
	s8 =	sshll.u32 s6, $0xA;
	s6 =	ssub.s32 $0x2, s6  }
0x8: {  	_ =	strace $0x80000047;
	s7 =	sor.u32 s8, s7;
	s30 =	sshrl.u32 s6, $0x1  }
0x9: {  	s8 =	simm.s32 $0x40000;
	s3 =	sadd.s32 s7, s3;
	s6 =	ssub.s32 s6, s30  }
0xa: {  	s31 =	sshrl.u32 s7, $0x2;
	s4 =	sadd.s32 s4, s7;
	s7 =	simm.s32 $0x1  }
0xb: {  	s3 =	sadd.s32 $0x1000, s3;
	s5 =	sadd.s32 s5, s31;
	s6 =	smax.u32 s6, $0x1  }
.LBB2_1:
0xc: {  	[tilespmem:s2], [sflag:$0x1] =	stream.linear.gather [hbm4b:s3+s2], $0x2000, $0x38;
	[tilespmem:$0x12800] =	vst v63  }
0xd: {  	_ =	swait.ge [sflag:s7], $0x2000  }
0xe: {  	[sflag:s7] =	ssyncset.done $0x0  }
0xf: {  	s12 =	simm.s32 $0x0;
	s13 =	simm.s32 $0x0;
	[sflag:s7] =	ssyncadd.s32 $0xFFFFE000  }
.LBB2_2:
0x10: {  	s14 =	sand.u32 $0x70, s12;
	s16 =	sand.u32 $0x7FFFFC00, s13  }
0x11: {  	s15 =	sor.u32 s14, s16  }
0x12: {  	v0 =	vld [tilespmem:s15+$0x80]  }
0x13: {  	v2 =	vld [tilespmem:s15+$0x100]  }
0x14: {  	v3 =	vld [tilespmem:s15+$0x200]  }
0x15: {  	v4 =	vld [tilespmem:s15+$0x280]  }
0x16: {  	v5 =	vld [tilespmem:s15+$0x180]  }
0x17: {  	v1 =	vld [tilespmem:s15+$0x0];
	_ =	sdelay $0x3  }
0x18: {  	v3 =	vadd.f32 v4, v3;
	v2 =	vadd.f32 v5, v2;
	vm0 =	veq.f32 v0, $0.0e+00  }
0x19: {  	vm1 =	veq.f32 v1, $0.0e+00;
	vm10 =	veq.f32 v0, $1.000000000e+00;
	vm11 =	veq.f32 v0, $2.000000000e+00  }
0x1a: {  	vm12 =	veq.f32 v1, $1.000000000e+00;
	vm13 =	veq.f32 v1, $2.000000000e+00;
	vm14 =	veq.f32 v0, $3.000000000e+00  }
0x1b: {  	vm15 =	veq.f32 v1, $3.000000000e+00;
	vm4 =	veq.f32 v0, $4.000000000e+00;
	vm5 =	veq.f32 v0, $5.000000000e+00  }
0x1c: {  	vm6 =	veq.f32 v1, $4.000000000e+00;
	vm7 =	veq.f32 v1, $5.000000000e+00;
	vm8 =	veq.f32 v0, $6.000000000e+00  }
0x1d: {  	vm9 =	veq.f32 v1, $6.000000000e+00;
	v4 =	vnsel vm0, $0x0, v3;
	v46 =	vnsel vm10, $0x0, v3  }
0x1e: {  	v6 =	vnsel vm11, $0x0, v3;
	v7 =	vnsel vm14, $0x0, v3;
	v8 =	vnsel vm4, $0x0, v3  }
0x1f: {  	v9 =	vnsel vm5, $0x0, v3;
	v10 =	vnsel vm8, $0x0, v3;
	vm10 =	veq.f32 v0, $7.000000000e+00  }
0x20: {  	vm11 =	veq.f32 v0, $8.000000000e+00;
	vm14 =	veq.f32 v0, $9.000000000e+00;
	vm4 =	veq.f32 v0, $1.000000000e+01  }
0x21: {  	vm5 =	veq.f32 v0, $1.100000000e+01;
	vm8 =	veq.f32 v0, $1.200000000e+01;
	v4 =	vsel vm1, v2, v4  }
0x22: {  	v5 =	vsel vm12, v2, v46;
	v6 =	vsel vm13, v2, v6;
	v7 =	vsel vm15, v2, v7  }
0x23: {  	v8 =	vsel vm6, v2, v8;
	v9 =	vsel vm7, v2, v9;
	v10 =	vsel vm9, v2, v10  }
0x24: {  	v11 =	vnsel vm10, $0x0, v3;
	vm12 =	veq.f32 v1, $7.000000000e+00;
	v12 =	vnsel vm11, $0x0, v3  }
0x25: {  	vm13 =	veq.f32 v1, $8.000000000e+00;
	vm15 =	veq.f32 v1, $9.000000000e+00;
	v13 =	vnsel vm14, $0x0, v3  }
0x26: {  	v14 =	vnsel vm4, $0x0, v3;
	vm6 =	veq.f32 v1, $1.000000000e+01;
	v15 =	vnsel vm5, $0x0, v3  }
0x27: {  	vm7 =	veq.f32 v1, $1.100000000e+01;
	vm9 =	veq.f32 v1, $1.200000000e+01;
	v16 =	vnsel vm8, $0x0, v3  }
0x28: {  	vm10 =	veq.f32 v0, $1.300000000e+01;
	vm11 =	veq.f32 v0, $1.400000000e+01;
	vm14 =	veq.f32 v0, $1.500000000e+01  }
0x29: {  	vm4 =	veq.f32 v0, $1.600000000e+01;
	vm5 =	veq.f32 v0, $1.700000000e+01;
	vm8 =	veq.f32 v0, $1.800000000e+01  }
0x2a: {  	v11 =	vsel vm12, v2, v11;
	v12 =	vsel vm13, v2, v12;
	v13 =	vsel vm15, v2, v13  }
0x2b: {  	v14 =	vsel vm6, v2, v14;
	v15 =	vsel vm7, v2, v15;
	v16 =	vsel vm9, v2, v16  }
0x2c: {  	v17 =	vnsel vm10, $0x0, v3;
	vm12 =	veq.f32 v1, $1.300000000e+01;
	v18 =	vnsel vm11, $0x0, v3  }
0x2d: {  	vm13 =	veq.f32 v1, $1.400000000e+01;
	vm15 =	veq.f32 v1, $1.500000000e+01;
	v19 =	vnsel vm14, $0x0, v3  }
0x2e: {  	v20 =	vnsel vm4, $0x0, v3;
	vm6 =	veq.f32 v1, $1.600000000e+01;
	v21 =	vnsel vm5, $0x0, v3  }
0x2f: {  	vm7 =	veq.f32 v1, $1.700000000e+01;
	vm9 =	veq.f32 v1, $1.800000000e+01;
	v49 =	vnsel vm8, $0x0, v3  }
0x30: {  	[tilespmem:s15+$0x2000] =	vst v4;
	vm10 =	veq.f32 v0, $1.900000000e+01;
	vm11 =	veq.f32 v0, $2.000000000e+01;
	vm14 =	veq.f32 v0, $2.100000000e+01  }
0x31: {  	[tilespmem:s15+$0x2080] =	vst v5;
	vm4 =	veq.f32 v0, $2.200000000e+01;
	vm5 =	veq.f32 v0, $2.300000000e+01;
	vm8 =	veq.f32 v0, $2.400000000e+01  }
0x32: {  	[tilespmem:s15+$0x2100] =	vst v6;
	v17 =	vsel vm12, v2, v17;
	v18 =	vsel vm13, v2, v18;
	v19 =	vsel vm15, v2, v19  }
0x33: {  	[tilespmem:s15+$0x2180] =	vst v7;
	v47 =	vsel vm6, v2, v20;
	v48 =	vsel vm7, v2, v21;
	v5 =	vsel vm9, v2, v49  }
0x34: {  	[tilespmem:s15+$0x2200] =	vst v8;
	v50 =	vnsel vm10, $0x0, v3;
	vm12 =	veq.f32 v1, $1.900000000e+01;
	v51 =	vnsel vm11, $0x0, v3  }
0x35: {  	[tilespmem:s15+$0x2280] =	vst v9;
	vm13 =	veq.f32 v1, $2.000000000e+01;
	vm15 =	veq.f32 v1, $2.100000000e+01;
	v52 =	vnsel vm14, $0x0, v3  }
0x36: {  	[tilespmem:s15+$0x2300] =	vst v10;
	v53 =	vnsel vm4, $0x0, v3;
	vm6 =	veq.f32 v1, $2.200000000e+01;
	v54 =	vnsel vm5, $0x0, v3  }
0x37: {  	[tilespmem:s15+$0x2380] =	vst v11;
	vm7 =	veq.f32 v1, $2.300000000e+01;
	vm9 =	veq.f32 v1, $2.400000000e+01;
	v55 =	vnsel vm8, $0x0, v3  }
0x38: {  	[tilespmem:s15+$0x4000] =	vst v12;
	vm10 =	veq.f32 v0, $2.500000000e+01;
	vm11 =	veq.f32 v0, $2.600000000e+01;
	vm14 =	veq.f32 v0, $2.700000000e+01  }
0x39: {  	[tilespmem:s15+$0x4080] =	vst v13;
	vm4 =	veq.f32 v0, $2.800000000e+01;
	vm5 =	veq.f32 v0, $2.900000000e+01;
	vm8 =	veq.f32 v0, $3.000000000e+01  }
0x3a: {  	[tilespmem:s15+$0x4100] =	vst v14;
	v6 =	vsel vm12, v2, v50;
	v7 =	vsel vm13, v2, v51;
	v8 =	vsel vm15, v2, v52  }
0x3b: {  	[tilespmem:s15+$0x4180] =	vst v15;
	v9 =	vsel vm6, v2, v53;
	v10 =	vsel vm7, v2, v54;
	v11 =	vsel vm9, v2, v55  }
0x3c: {  	[tilespmem:s15+$0x4200] =	vst v16;
	v56 =	vnsel vm10, $0x0, v3;
	vm12 =	veq.f32 v1, $2.500000000e+01;
	v57 =	vnsel vm11, $0x0, v3  }
0x3d: {  	vm13 =	veq.f32 v1, $2.600000000e+01;
	[tilespmem:s15+$0x4280] =	vst v17;
	vm15 =	veq.f32 v1, $2.700000000e+01;
	v58 =	vnsel vm14, $0x0, v3  }
0x3e: {  	[tilespmem:s15+$0x4300] =	vst v18;
	v59 =	vnsel vm4, $0x0, v3;
	vm6 =	veq.f32 v1, $2.800000000e+01;
	v60 =	vnsel vm5, $0x0, v3  }
0x3f: {  	[tilespmem:s15+$0x4380] =	vst v19;
	vm7 =	veq.f32 v1, $2.900000000e+01;
	vm9 =	veq.f32 v1, $3.000000000e+01;
	v63 =	vnsel vm8, $0x0, v3  }
0x40: {  	[tilespmem:s15+$0x6000] =	vst v47;
	vm10 =	veq.f32 v0, $3.100000000e+01;
	vm11 =	veq.f32 v0, $3.200000000e+01;
	vm14 =	veq.f32 v0, $3.300000000e+01  }
0x41: {  	[tilespmem:s15+$0x6080] =	vst v48;
	vm4 =	veq.f32 v0, $3.400000000e+01;
	vm5 =	veq.f32 v0, $3.500000000e+01;
	vm8 =	veq.f32 v0, $3.600000000e+01  }
0x42: {  	[tilespmem:s15+$0x6100] =	vst v5;
	v12 =	vsel vm12, v2, v56;
	v13 =	vsel vm13, v2, v57;
	v14 =	vsel vm15, v2, v58  }
0x43: {  	v61 =	vsel vm6, v2, v59;
	v62 =	vsel vm7, v2, v60;
	v20 =	vsel vm9, v2, v63;
	[tilespmem:s15+$0x6180] =	vst v6  }
0x44: {  	v21 =	vnsel vm10, $0x0, v3;
	vm12 =	veq.f32 v1, $3.100000000e+01;
	v22 =	vnsel vm11, $0x0, v3;
	[tilespmem:s15+$0x6200] =	vst v7  }
0x45: {  	vm13 =	veq.f32 v1, $3.200000000e+01;
	[tilespmem:s15+$0x6280] =	vst v8;
	vm15 =	veq.f32 v1, $3.300000000e+01;
	v24 =	vnsel vm14, $0x0, v3  }
0x46: {  	[tilespmem:s15+$0x6300] =	vst v9;
	v25 =	vnsel vm4, $0x0, v3;
	vm6 =	veq.f32 v1, $3.400000000e+01;
	v26 =	vnsel vm5, $0x0, v3  }
0x47: {  	[tilespmem:s15+$0x6380] =	vst v10;
	vm7 =	veq.f32 v1, $3.500000000e+01;
	vm9 =	veq.f32 v1, $3.600000000e+01;
	v27 =	vnsel vm8, $0x0, v3  }
0x48: {  	[tilespmem:s15+$0x8000] =	vst v11;
	vm10 =	veq.f32 v0, $3.700000000e+01;
	vm11 =	veq.f32 v0, $3.800000000e+01;
	vm14 =	veq.f32 v0, $3.900000000e+01  }
0x49: {  	vm4 =	veq.f32 v0, $4.000000000e+01;
	vm5 =	veq.f32 v0, $4.100000000e+01;
	vm8 =	veq.f32 v0, $4.200000000e+01;
	[tilespmem:s15+$0x8080] =	vst v12  }
0x4a: {  	v23 =	vsel vm12, v2, v21;
	v6 =	vsel vm13, v2, v22;
	v8 =	vsel vm15, v2, v24;
	[tilespmem:s15+$0x8100] =	vst v13  }
0x4b: {  	v9 =	vsel vm6, v2, v25;
	v10 =	vsel vm7, v2, v26;
	v11 =	vsel vm9, v2, v27;
	[tilespmem:s15+$0x8180] =	vst v14  }
0x4c: {  	v28 =	vnsel vm10, $0x0, v3;
	vm12 =	veq.f32 v1, $3.700000000e+01;
	v29 =	vnsel vm11, $0x0, v3;
	[tilespmem:s15+$0x8200] =	vst v61  }
0x4d: {  	vm13 =	veq.f32 v1, $3.800000000e+01;
	[tilespmem:s15+$0x8280] =	vst v62;
	vm15 =	veq.f32 v1, $3.900000000e+01;
	v32 =	vnsel vm14, $0x0, v3  }
0x4e: {  	[tilespmem:s15+$0x8300] =	vst v20;
	v34 =	vnsel vm4, $0x0, v3;
	vm6 =	veq.f32 v1, $4.000000000e+01;
	v35 =	vnsel vm5, $0x0, v3  }
0x4f: {  	vm7 =	veq.f32 v1, $4.100000000e+01;
	vm9 =	veq.f32 v1, $4.200000000e+01;
	v37 =	vnsel vm8, $0x0, v3;
	[tilespmem:s15+$0x8380] =	vst v23  }
0x50: {  	vm10 =	veq.f32 v0, $4.300000000e+01;
	vm11 =	veq.f32 v0, $4.400000000e+01;
	vm14 =	veq.f32 v0, $4.500000000e+01;
	[tilespmem:s15+$0xA000] =	vst v6  }
0x51: {  	vm4 =	veq.f32 v0, $4.600000000e+01;
	vm5 =	veq.f32 v0, $4.700000000e+01;
	vm8 =	veq.f32 v0, $4.800000000e+01;
	[tilespmem:s15+$0xA080] =	vst v8  }
0x52: {  	v30 =	vsel vm12, v2, v28;
	v31 =	vsel vm13, v2, v29;
	v33 =	vsel vm15, v2, v32;
	[tilespmem:s15+$0xA100] =	vst v9  }
0x53: {  	v36 =	vsel vm6, v2, v34;
	v7 =	vsel vm7, v2, v35;
	v8 =	vsel vm9, v2, v37;
	[tilespmem:s15+$0xA180] =	vst v10  }
0x54: {  	v38 =	vnsel vm10, $0x0, v3;
	vm12 =	veq.f32 v1, $4.300000000e+01;
	v39 =	vnsel vm11, $0x0, v3;
	[tilespmem:s15+$0xA200] =	vst v11  }
0x55: {  	vm13 =	veq.f32 v1, $4.400000000e+01;
	vm15 =	veq.f32 v1, $4.500000000e+01;
	v40 =	vnsel vm14, $0x0, v3;
	[tilespmem:s15+$0xA280] =	vst v30  }
0x56: {  	v41 =	vnsel vm4, $0x0, v3;
	vm6 =	veq.f32 v1, $4.600000000e+01;
	v42 =	vnsel vm5, $0x0, v3;
	[tilespmem:s15+$0xA300] =	vst v31  }
0x57: {  	vm7 =	veq.f32 v1, $4.700000000e+01;
	vm9 =	veq.f32 v1, $4.800000000e+01;
	v44 =	vnsel vm8, $0x0, v3;
	[tilespmem:s15+$0xA380] =	vst v33  }
0x58: {  	vm10 =	veq.f32 v0, $4.900000000e+01;
	vm11 =	veq.f32 v0, $5.000000000e+01;
	vm14 =	veq.f32 v0, $5.100000000e+01;
	[tilespmem:s15+$0xC000] =	vst v36  }
0x59: {  	vm4 =	veq.f32 v0, $5.200000000e+01;
	vm5 =	veq.f32 v0, $5.300000000e+01;
	vm8 =	veq.f32 v0, $5.400000000e+01;
	[tilespmem:s15+$0xC080] =	vst v7  }
0x5a: {  	v9 =	vsel vm12, v2, v38;
	v10 =	vsel vm13, v2, v39;
	v4 =	vsel vm15, v2, v40;
	[tilespmem:s15+$0xC100] =	vst v8  }
0x5b: {  	v43 =	vsel vm6, v2, v41;
	v5 =	vsel vm7, v2, v42;
	v7 =	vsel vm9, v2, v44;
	[tilespmem:s15+$0xC180] =	vst v9  }
0x5c: {  	v45 =	vnsel vm10, $0x0, v3;
	vm12 =	veq.f32 v1, $4.900000000e+01;
	v46 =	vnsel vm11, $0x0, v3;
	[tilespmem:s15+$0xC200] =	vst v10  }
0x5d: {  	vm13 =	veq.f32 v1, $5.000000000e+01;
	vm15 =	veq.f32 v1, $5.100000000e+01;
	v47 =	vnsel vm14, $0x0, v3;
	[tilespmem:s15+$0xC280] =	vst v4  }
0x5e: {  	v48 =	vnsel vm4, $0x0, v3;
	vm6 =	veq.f32 v1, $5.200000000e+01;
	v49 =	vnsel vm5, $0x0, v3;
	[tilespmem:s15+$0xC300] =	vst v43  }
0x5f: {  	vm7 =	veq.f32 v1, $5.300000000e+01;
	vm9 =	veq.f32 v1, $5.400000000e+01;
	v50 =	vnsel vm8, $0x0, v3;
	[tilespmem:s15+$0xC380] =	vst v5  }
0x60: {  	vm10 =	veq.f32 v0, $5.500000000e+01;
	vm11 =	veq.f32 v0, $5.600000000e+01;
	v8 =	vsel vm12, v2, v45;
	[tilespmem:s15+$0xE000] =	vst v7  }
0x61: {  	vm14 =	veq.f32 v0, $5.700000000e+01;
	vm4 =	veq.f32 v0, $5.800000000e+01;
	v9 =	vsel vm13, v2, v46;
	[tilespmem:s15+$0xE080] =	vst v8  }
0x62: {  	vm5 =	veq.f32 v0, $5.900000000e+01;
	vm8 =	veq.f32 v0, $6.000000000e+01;
	v4 =	vsel vm15, v2, v47;
	[tilespmem:s15+$0xE100] =	vst v9  }
0x63: {  	v6 =	vsel vm6, v2, v48;
	v5 =	vsel vm7, v2, v49;
	v7 =	vsel vm9, v2, v50;
	[tilespmem:s15+$0xE180] =	vst v4  }
0x64: {  	v51 =	vnsel vm10, $0x0, v3;
	vm12 =	veq.f32 v1, $5.500000000e+01;
	v52 =	vnsel vm11, $0x0, v3;
	[tilespmem:s15+$0xE200] =	vst v6  }
0x65: {  	vm13 =	veq.f32 v1, $5.600000000e+01;
	vm15 =	veq.f32 v1, $5.700000000e+01;
	v54 =	vnsel vm14, $0x0, v3;
	[tilespmem:s15+$0xE280] =	vst v5  }
0x66: {  	v55 =	vnsel vm4, $0x0, v3;
	vm6 =	veq.f32 v1, $5.800000000e+01;
	v53 =	vsel vm12, v2, v51;
	[tilespmem:s15+$0xE300] =	vst v7  }
0x67: {  	v56 =	vnsel vm5, $0x0, v3;
	vm7 =	veq.f32 v1, $5.900000000e+01;
	v4 =	vsel vm13, v2, v52;
	[tilespmem:s15+$0xE380] =	vst v53  }
0x68: {  	vm9 =	veq.f32 v1, $6.000000000e+01;
	v58 =	vnsel vm8, $0x0, v3;
	v5 =	vsel vm15, v2, v54;
	[tilespmem:s15+$0x10000] =	vst v4  }
0x69: {  	vm10 =	veq.f32 v0, $6.100000000e+01;
	vm11 =	veq.f32 v0, $6.200000000e+01;
	v57 =	vsel vm6, v2, v55;
	[tilespmem:s15+$0x10080] =	vst v5  }
0x6a: {  	vm14 =	veq.f32 v0, $6.300000000e+01;
	v6 =	vsel vm7, v2, v56;
	v59 =	vsel vm9, v2, v58;
	[tilespmem:s15+$0x10100] =	vst v57  }
0x6b: {  	v60 =	vnsel vm10, $0x0, v3;
	vm12 =	veq.f32 v1, $6.100000000e+01;
	v61 =	vnsel vm11, $0x0, v3;
	[tilespmem:s15+$0x10180] =	vst v6  }
0x6c: {  	p0 =	sne.s32 s13, $0x1F80;
	vm13 =	veq.f32 v1, $6.200000000e+01;
	v3 =	vnsel vm14, $0x0, v3;
	[tilespmem:s15+$0x10200] =	vst v59;
	v62 =	vsel vm12, v2, v60  }
.Ltmp0:
0x6d: {  	vm15 =	veq.f32 v1, $6.300000000e+01;
	v1 =	vtrunc.f32 v1;
	v63 =	vsel vm13, v2, v61;
	[tilespmem:s15+$0x10280] =	vst v62;
	(pc) =	sbr.rel @p0 .LBB2_2-.Ltmp0, $4  }
0x6e: {  	s16 =	sshrl.u32 s16, $0x2;
	v0 =	vtrunc.f32 v0;
	v2 =	vsel vm15, v2, v3;
	v1 =	vcvt.f32.s32 v1;
	[tilespmem:s15+$0x10300] =	vst v63  }
0x6f: {  	s14 =	sor.u32 s14, s16;
	v0 =	vcvt.f32.s32 v0;
	[tilespmem:s15+$0x10380] =	vst v2  }
0x70: {  	s31 =	sadd.s32 $0x12000, s14;
	[tilespmem:s14+$0x12000] =	vst v1  }
0x71: {  	s12 =	sadd.s32 $0x10, s12;
	s13 =	sadd.s32 $0x80, s13;
	[tilespmem:s31+$0x80] =	vst v0  }
0x72: {  	[hbm4b:s4+s9] =	stream.strided.scatter [tilespmem:s9], [sflag:$0x1], $0x10000, s8, s9, $0x38;
	[tilespmem:$0x12800] =	vst v63  }
0x73: {  	s11 =	sadd.s32 $0x1, s11;
	_ =	swait.ge [sflag:s7], $0x10000  }
0x74: {  	p0 =	sne.s32 s11, s6;
	[sflag:s7] =	ssyncset.done $0x0  }
.Ltmp1:
0x75: {  	[sflag:s7] =	ssyncadd.s32 $0xFFFF0000;
	(pc) =	sbr.rel @p0 .LBB2_1-.Ltmp1, $4  }
0x76: {  	[hbm4b:s5+s2] =	stream.linear.scatter [tilespmem:s10], [sflag:$0x1], $0x800, $0x38;
	[tilespmem:$0x12800] =	vst v63  }
0x77: {  	_ =	swait.ge [sflag:s7], $0x800  }
0x78: {  	[sflag:s7] =	ssyncset.done $0x0  }
0x79: {  	[sflag:s7] =	ssyncadd.s32 $0xFFFFF800  }
0x7a: {  	_ =	sfence.sel $0x180000  }
0x7b: {  	[bflag:$0x0] =	sbarrier.arrive $0xFFFF  }
0x7c: {  	p0 =	sne.s32 s1, $0x0;
	_ =	strace $0x90000047  }
0x7d: {  	s0 =	sadd.s32 @!p0 $0x100000, s0;
	[bflag:$0x2] =	sbarrier.arrive $0xFFFF  }
0x7e: {  	[sflag:s0] =	ssyncadd.tile.s32 @!p0 $0x1;
	_ =	shalt  }
.Lfunc_end2:
_tile_overlayer_lowered:
.L_overlay_start_2:
0x7f: {  	(tag) =	ssettag $0x2  }
0x80: {  	s0 =	rddreg [dreg:$0x0];
	s2 =	stileid.u32  }
0x81: {  	s1 =	rddreg [dreg:$0x1];
	p0 =	sne.s32 s2, $0x0  }
0x82: {  	s3 =	rddreg [dreg:$0x2];
	[bflag:$0x3] =	sbarrier.arrive $0xFFFF;
	s2 =	simm.s32 @!p0 $0x1C01  }
0x83: {  	[timem:s3], [sflag:s2] =	dma.local @!p0 [hbm:s0], s1  }
0x84: {  	s0 =	simm.s32 @!p0 $0x1  }
0x85: {  	_ =	swait.ge @!p0 [sflag:s0], s1  }
0x86: {  	s1 =	ssub.s32 @!p0 $0x0, s1;
	[sflag:s0] =	ssyncset.done @!p0 $0x0  }
0x87: {  	[sflag:s0] =	ssyncadd.s32 @!p0 s1  }
0x88: {  	[bflag:$0x3] =	sbarrier.arrive $0xFFFF  }
0x89: {  	_ =	shalt  }

</sc_bundles>
